<compile_context>
chip_gen: v7x
topology: tpu7x:2x2x1
jax: 0.10.2.dev20260603
libtpu: 0.0.44.dev20260713+nightly
codegen_flags: <defaults>
</compile_context>

<pallas_src>
import functools

import jax
import jax.numpy as jnp
from jax import lax
from jax.experimental import pallas as pl
from jax.experimental.pallas import tpu as pltpu
from jax.experimental.pallas import tpu_sc as plsc

N_QUERIES = 4096
N_KEYS = 100000
DIM = 128
TOPK = 100

BM = 1024
BN = 1024
KP = 100352

NW = 32
ROWS_PER_W = N_QUERIES // NW
NVEC = N_KEYS // 16
WVEC = 256
WARM = WVEC * 16
CAP = 6144
OUT_C = 512
PAD_VAL = -3.0
BS_T = 11
BS_T2 = 10


def _matmul_body(q_ref, k_ref, o_ref):
    o_ref[...] = jax.lax.dot_general(
        q_ref[...], k_ref[...],
        dimension_numbers=(((1,), (1,)), ((), ())),
        preferred_element_type=jnp.float32,
    )


def _sim_matrix(qn, kn):
    return pl.pallas_call(
        _matmul_body,
        grid=(N_QUERIES // BM, KP // BN),
        in_specs=[
            pl.BlockSpec((BM, DIM), lambda i, j: (i, 0)),
            pl.BlockSpec((BN, DIM), lambda i, j: (j, 0)),
        ],
        out_specs=pl.BlockSpec((BM, BN), lambda i, j: (i, j)),
        out_shape=jax.ShapeDtypeStruct((N_QUERIES, KP), jnp.float32),
    )(qn, kn)


def _splat_f32(x):
    return jnp.full((16,), x, jnp.float32)


def _splat_total(x):
    s = plsc.cumsum(x)
    return plsc.cummax(lax.rev(s, (0,)))


def _thresh_search(readers, lo0, hi0, iters):
    def bs_body(_, lohi):
        lo, hi = lohi
        mid = 0.5 * (lo + hi)
        acc = jnp.zeros((16,), jnp.int32)
        for read_vec, ngroups in readers:
            def cnt_body(j, a, read_vec=read_vec):
                for u in range(8):
                    a = a + (read_vec(j * 8 + u) >= mid).astype(jnp.int32)
                return a
            acc = lax.fori_loop(0, ngroups, cnt_body, acc)
        ok = _splat_total(acc) >= TOPK
        return jnp.where(ok, mid, lo), jnp.where(ok, hi, mid)
    lo, hi = lax.fori_loop(0, iters, bs_body, (lo0, hi0))
    return lo


def _sc_select_body(sim_ref, vals_ref, idx_ref, row_v, cv, ci, ov, oi):
    cid = lax.axis_index("c")
    sid = lax.axis_index("s")
    wid = sid * 2 + cid
    iota = lax.iota(jnp.int32, 16)

    def do_row(r, _):
        row = wid * ROWS_PER_W + r
        pltpu.sync_copy(sim_ref.at[pl.ds(row * KP, N_KEYS)], row_v)

        t = _thresh_search([(lambda j: row_v[pl.ds(j * 16, 16)], WVEC // 8)],
                           _splat_f32(-1.5), _splat_f32(1.5), BS_T)

        assert (NVEC - WVEC) % 9 == 0
        capv = jnp.full((16,), CAP - 16, jnp.int32) + iota
        def filt_body(i9, curvi):
            for u in range(9):
                i = WVEC + i9 * 9 + u
                v = row_v[pl.ds(i * 16, 16)]
                m = v >= t
                pos = jnp.minimum(curvi, capv)
                plsc.store_scatter(ci, [pos], iota + i * 16, mask=m)
                curvi = curvi + (m.astype(jnp.int32) << 4)
            return curvi
        curvi = lax.fori_loop(0, (NVEC - WVEC) // 9, filt_body, iota)
        curv16 = curvi - iota

        mlc = jnp.minimum(jnp.max(curv16) >> 4, CAP // 16)
        nb8 = (mlc + 7) >> 3

        def gath_body(j4, _):
            for u in range(4):
                j = j4 * 4 + u
                ix = ci[pl.ds(j * 16, 16)]
                ixc = jnp.clip(ix, 0, N_KEYS - 1)
                v = plsc.load_gather(row_v, [ixc])
                valid = (j * 16) < curv16
                cv[pl.ds(j * 16, 16)] = jnp.where(valid, v, _splat_f32(PAD_VAL))
            return 0
        lax.fori_loop(0, nb8 * 2, gath_body, 0)

        t2 = _thresh_search([(lambda j: row_v[pl.ds(j * 16, 16)], WVEC // 8),
                             (lambda j: cv[pl.ds(j * 16, 16)], nb8)],
                            t, _splat_f32(1.5), BS_T2)

        def oclr_body(j, _):
            ov[pl.ds(j * 16, 16)] = _splat_f32(PAD_VAL)
            return 0
        lax.fori_loop(0, OUT_C // 16, oclr_body, 0)

        def comp_warm(j4, ocur16):
            for u in range(4):
                j = j4 * 4 + u
                v = row_v[pl.ds(j * 16, 16)]
                m = v >= t2
                pos = jnp.minimum(ocur16, OUT_C - 16) + iota
                plsc.store_scatter(ov, [pos], v, mask=m)
                plsc.store_scatter(oi, [pos], iota + j * 16, mask=m)
                ocur16 = ocur16 + (m.astype(jnp.int32) << 4)
            return ocur16
        ocur16 = lax.fori_loop(0, WVEC // 4, comp_warm,
                               jnp.zeros((16,), jnp.int32))

        def comp_app(j4, ocur16):
            for u in range(4):
                j = j4 * 4 + u
                v = cv[pl.ds(j * 16, 16)]
                ix = ci[pl.ds(j * 16, 16)]
                m = v >= t2
                pos = jnp.minimum(ocur16, OUT_C - 16) + iota
                plsc.store_scatter(ov, [pos], v, mask=m)
                plsc.store_scatter(oi, [pos], ix, mask=m)
                ocur16 = ocur16 + (m.astype(jnp.int32) << 4)
            return ocur16
        lax.fori_loop(0, nb8 * 2, comp_app, ocur16)

        pltpu.sync_copy(ov.at[pl.ds(0, OUT_C)],
                        vals_ref.at[pl.ds(row * OUT_C, OUT_C)])
        pltpu.sync_copy(oi.at[pl.ds(0, OUT_C)],
                        idx_ref.at[pl.ds(row * OUT_C, OUT_C)])
        return 0

    lax.fori_loop(0, ROWS_PER_W, do_row, 0)


@functools.partial(
    pl.kernel,
    out_type=[
        jax.ShapeDtypeStruct((N_QUERIES * OUT_C,), jnp.float32),
        jax.ShapeDtypeStruct((N_QUERIES * OUT_C,), jnp.int32),
    ],
    mesh=plsc.VectorSubcoreMesh(
        core_axis_name="c", subcore_axis_name="s",
        num_cores=2, num_subcores=16),
    compiler_params=pltpu.CompilerParams(needs_layout_passes=False),
    scratch_types=[
        pltpu.VMEM((N_KEYS,), jnp.float32),
        pltpu.VMEM((CAP,), jnp.float32),
        pltpu.VMEM((CAP,), jnp.int32),
        pltpu.VMEM((OUT_C,), jnp.float32),
        pltpu.VMEM((OUT_C,), jnp.int32),
    ],
)
def _sc_select(sim_ref, vals_ref, idx_ref, row_v, cv, ci, ov, oi):
    _sc_select_body(sim_ref, vals_ref, idx_ref, row_v, cv, ci, ov, oi)


def kernel(queries, keys, k):
    q_n = jnp.linalg.norm(queries, axis=1, keepdims=True)
    k_n = jnp.linalg.norm(keys, axis=1, keepdims=True)
    qn = queries / jnp.maximum(q_n, 1e-8)
    kn = keys / jnp.maximum(k_n, 1e-8)
    kn_p = jnp.pad(kn, ((0, KP - N_KEYS), (0, 0)))
    sim = _sim_matrix(qn, kn_p)

    cand_vals, cand_idx = _sc_select(sim.reshape(-1))
    cand_vals = cand_vals.reshape(N_QUERIES, OUT_C)
    cand_idx = cand_idx.reshape(N_QUERIES, OUT_C)

    neg_sorted, idx_sorted = jax.lax.sort(
        (-cand_vals, cand_idx), dimension=1, num_keys=2)
    return -neg_sorted[:, :TOPK], idx_sorted[:, :TOPK]

# --- scband reference (transcript-rebuilt; emitter-appended) ---
"""Pipeline reference for scband-nrcrs-62998580298088 (READ-ONLY COPY).

The authoritative reference and input builder live on the scoring server;
editing this copy changes nothing except your own understanding.
"""

import jax, jax.numpy as jnp
import numpy as np


def sim_matrix(a, b, eps=1e-8):
    # Faithful translation of the torch sim_matrix: cosine similarity with eps clamp
    a_n = jnp.linalg.norm(a, axis=1, keepdims=True)
    b_n = jnp.linalg.norm(b, axis=1, keepdims=True)
    a_norm = a / jnp.maximum(a_n, eps)
    b_norm = b / jnp.maximum(b_n, eps)
    return a_norm @ b_norm.T


def setup_inputs(seed: int = 0) -> dict:
    key = jax.random.key(seed)
    kq, kk = jax.random.split(key)
    queries = jax.random.normal(kq, (4096, 128), dtype=jnp.float32)
    keys = jax.random.normal(kk, (100000, 128), dtype=jnp.float32)
    return {"queries": queries, "keys": keys, "k": 100}


def reference(queries, keys, k):
    # Inner-product (cosine) index + exact kNN search, mirroring
    # Vector_KNN (faiss IndexIVFFlat with METRIC_INNER_PRODUCT on normalized vecs)
    sim = sim_matrix(queries, keys)
    vals, idx = jax.lax.top_k(sim, 100)
    k_zero = (jnp.asarray(k) - jnp.asarray(k)).astype(idx.dtype)
    idx = idx + k_zero
    return vals, idx

if __name__ == "__main__":
    import jax
    _d = setup_inputs()
    print(jax.jit(kernel)(*tuple(_d.values())))

</pallas_src>

<mosaic_0001>
#map = affine_map<(d0, d1) -> (0)>
module attributes {stable_mosaic.version = 14 : i64} {
  func.func @_sc_select(%arg0: i32, %arg1: i32, %arg2: memref<411041792xf32, #tpu.memory_space<hbm>>, %arg3: memref<2097152xf32, #tpu.memory_space<hbm>>, %arg4: memref<2097152xi32, #tpu.memory_space<hbm>>, %arg5: memref<100000xf32, #tpu.memory_space<vmem>>, %arg6: memref<6144xf32, #tpu.memory_space<vmem>>, %arg7: memref<6144xi32, #tpu.memory_space<vmem>>, %arg8: memref<512xf32, #tpu.memory_space<vmem>>, %arg9: memref<512xi32, #tpu.memory_space<vmem>>) attributes {dimension_semantics = [#tpu.dimension_semantics<core_parallel>, #tpu.dimension_semantics<subcore_parallel>], iteration_bounds = array<i64: 2, 16>, scalar_prefetch = 0 : i64, scratch_operands = 5 : i64, tpu.core_type = #tpu.core_type<sc_vector_subcore>, window_params = [{transform_indices = #map}, {transform_indices = #map}, {transform_indices = #map}]} {
    %mul3A = arith.constant 2 : i32
    %mul3A_0 = arith.muli %arg1, %mul3A : i32
    %add3A = arith.addi %mul3A_0, %arg0 : i32
    %iota3A = tpu.iota {dimensions = array<i32: 0>} : vector<16xi32>
    %scan3A = arith.constant 0 : i32
    %scan3A_1 = arith.constant 0 : i32
    %scan3A_2 = arith.constant 128 : i32
    %scan3A_3 = arith.addi %scan3A_1, %scan3A_2 : i32
    %scan3A_4 = arith.constant 1 : i32
    %scan3A_5 = scf.for %scan3A_7 = %scan3A_1 to %scan3A_3 step %scan3A_4 iter_args(%scan3A_8 = %scan3A) -> (i32)  : i32 {
      %mul3A_9 = arith.constant 128 : i32
      %mul3A_10 = arith.muli %add3A, %mul3A_9 : i32
      %add3A_11 = arith.addi %mul3A_10, %scan3A_7 : i32
      %mul3A_12 = arith.constant 100352 : i32
      %mul3A_13 = arith.muli %add3A_11, %mul3A_12 : i32
      "tpu.region"() ({
        %run_scoped3A = tpu.sem_alloc : memref<!tpu.dma_semaphore, #tpu.memory_space<semaphore_mem>>
        %dma_start3A = tpu.memref_slice %arg2[%mul3A_13] : memref<411041792xf32, #tpu.memory_space<hbm>> -> memref<100000xf32, #tpu.memory_space<hbm>>
        %dma_start3A_99 = tpu.memref_slice %arg2[%mul3A_13] : memref<411041792xf32, #tpu.memory_space<hbm>> -> memref<100000xf32, #tpu.memory_space<hbm>>
        tpu.enqueue_dma source(%dma_start3A_99 : memref<100000xf32, #tpu.memory_space<hbm>>) target(%arg5 : memref<100000xf32, #tpu.memory_space<vmem>>) target_semaphore(%run_scoped3A : memref<!tpu.dma_semaphore, #tpu.memory_space<semaphore_mem>>)
        %dma_wait3A = tpu.memref_slice %arg2[%mul3A_13] : memref<411041792xf32, #tpu.memory_space<hbm>> -> memref<100000xf32, #tpu.memory_space<hbm>>
        %dma_wait3A_100 = tpu.memref_slice %arg2[%mul3A_13] : memref<411041792xf32, #tpu.memory_space<hbm>> -> memref<100000xf32, #tpu.memory_space<hbm>>
        tpu.wait_dma2 semaphore(%run_scoped3A : memref<!tpu.dma_semaphore, #tpu.memory_space<semaphore_mem>>) src(%dma_wait3A_100 : memref<100000xf32, #tpu.memory_space<hbm>>) dst(%arg5 : memref<100000xf32, #tpu.memory_space<vmem>>)
        tpu.yield
      }) : () -> ()
      %broadcast_in_dim3A = arith.constant -1.500000e+00 : f32
      %broadcast_in_dim3A_14 = vector.broadcast %broadcast_in_dim3A : f32 to vector<16xf32>
      %broadcast_in_dim3A_15 = arith.constant 1.500000e+00 : f32
      %broadcast_in_dim3A_16 = vector.broadcast %broadcast_in_dim3A_15 : f32 to vector<16xf32>
      %scan3A_17 = arith.constant 0 : i32
      %scan3A_18 = arith.constant 11 : i32
      %scan3A_19 = arith.addi %scan3A_17, %scan3A_18 : i32
      %scan3A_20 = arith.constant 1 : i32
      %scan3A_21:2 = scf.for %scan3A_99 = %scan3A_17 to %scan3A_19 step %scan3A_20 iter_args(%scan3A_100 = %broadcast_in_dim3A_14, %scan3A_101 = %broadcast_in_dim3A_16) -> (vector<16xf32>, vector<16xf32>)  : i32 {
        %add3A_102 = arith.addf %scan3A_100, %scan3A_101 : vector<16xf32>
        %mul3A_103 = arith.constant 5.000000e-01 : f32
        %mul3A_104 = vector.broadcast %mul3A_103 : f32 to vector<16xf32>
        %mul3A_105 = arith.mulf %mul3A_104, %add3A_102 : vector<16xf32>
        %broadcast_in_dim3A_106 = arith.constant 0 : i32
        %broadcast_in_dim3A_107 = vector.broadcast %broadcast_in_dim3A_106 : i32 to vector<16xi32>
        %scan3A_108 = arith.constant 0 : i32
        %scan3A_109 = arith.constant 32 : i32
        %scan3A_110 = arith.addi %scan3A_108, %scan3A_109 : i32
        %scan3A_111 = arith.constant 1 : i32
        %scan3A_112 = scf.for %scan3A_129 = %scan3A_108 to %scan3A_110 step %scan3A_111 iter_args(%scan3A_130 = %broadcast_in_dim3A_107) -> (vector<16xi32>)  : i32 {
          %mul3A_131 = arith.constant 8 : i32
          %mul3A_132 = arith.muli %scan3A_129, %mul3A_131 : i32
          %add3A_133 = arith.constant 0 : i32
          %add3A_134 = arith.addi %mul3A_132, %add3A_133 : i32
          %mul3A_135 = arith.constant 16 : i32
          %mul3A_136 = arith.muli %add3A_134, %mul3A_135 : i32
          %get3A = arith.index_cast %mul3A_136 : i32 to index
          %get3A_137 = tpu.vector_load %arg5[%get3A] {strides = array<i32>} : memref<100000xf32, #tpu.memory_space<vmem>>, vector<16xf32>,
          %ge3A_138 = arith.cmpf oge, %get3A_137, %mul3A_105 : vector<16xf32>
          %convert_element_type3A = arith.extui %ge3A_138 : vector<16xi1> to vector<16xi32>
          %add3A_139 = arith.addi %scan3A_130, %convert_element_type3A : vector<16xi32>
          %mul3A_140 = arith.constant 8 : i32
          %mul3A_141 = arith.muli %scan3A_129, %mul3A_140 : i32
          %add3A_142 = arith.constant 1 : i32
          %add3A_143 = arith.addi %mul3A_141, %add3A_142 : i32
          %mul3A_144 = arith.constant 16 : i32
          %mul3A_145 = arith.muli %add3A_143, %mul3A_144 : i32
          %get3A_146 = arith.index_cast %mul3A_145 : i32 to index
          %get3A_147 = tpu.vector_load %arg5[%get3A_146] {strides = array<i32>} : memref<100000xf32, #tpu.memory_space<vmem>>, vector<16xf32>,
          %ge3A_148 = arith.cmpf oge, %get3A_147, %mul3A_105 : vector<16xf32>
          %convert_element_type3A_149 = arith.extui %ge3A_148 : vector<16xi1> to vector<16xi32>
          %add3A_150 = arith.addi %add3A_139, %convert_element_type3A_149 : vector<16xi32>
          %mul3A_151 = arith.constant 8 : i32
          %mul3A_152 = arith.muli %scan3A_129, %mul3A_151 : i32
          %add3A_153 = arith.constant 2 : i32
          %add3A_154 = arith.addi %mul3A_152, %add3A_153 : i32
          %mul3A_155 = arith.constant 16 : i32
          %mul3A_156 = arith.muli %add3A_154, %mul3A_155 : i32
          %get3A_157 = arith.index_cast %mul3A_156 : i32 to index
          %get3A_158 = tpu.vector_load %arg5[%get3A_157] {strides = array<i32>} : memref<100000xf32, #tpu.memory_space<vmem>>, vector<16xf32>,
          %ge3A_159 = arith.cmpf oge, %get3A_158, %mul3A_105 : vector<16xf32>
          %convert_element_type3A_160 = arith.extui %ge3A_159 : vector<16xi1> to vector<16xi32>
          %add3A_161 = arith.addi %add3A_150, %convert_element_type3A_160 : vector<16xi32>
          %mul3A_162 = arith.constant 8 : i32
          %mul3A_163 = arith.muli %scan3A_129, %mul3A_162 : i32
          %add3A_164 = arith.constant 3 : i32
          %add3A_165 = arith.addi %mul3A_163, %add3A_164 : i32
          %mul3A_166 = arith.constant 16 : i32
          %mul3A_167 = arith.muli %add3A_165, %mul3A_166 : i32
          %get3A_168 = arith.index_cast %mul3A_167 : i32 to index
          %get3A_169 = tpu.vector_load %arg5[%get3A_168] {strides = array<i32>} : memref<100000xf32, #tpu.memory_space<vmem>>, vector<16xf32>,
          %ge3A_170 = arith.cmpf oge, %get3A_169, %mul3A_105 : vector<16xf32>
          %convert_element_type3A_171 = arith.extui %ge3A_170 : vector<16xi1> to vector<16xi32>
          %add3A_172 = arith.addi %add3A_161, %convert_element_type3A_171 : vector<16xi32>
          %mul3A_173 = arith.constant 8 : i32
          %mul3A_174 = arith.muli %scan3A_129, %mul3A_173 : i32
          %add3A_175 = arith.constant 4 : i32
          %add3A_176 = arith.addi %mul3A_174, %add3A_175 : i32
          %mul3A_177 = arith.constant 16 : i32
          %mul3A_178 = arith.muli %add3A_176, %mul3A_177 : i32
          %get3A_179 = arith.index_cast %mul3A_178 : i32 to index
          %get3A_180 = tpu.vector_load %arg5[%get3A_179] {strides = array<i32>} : memref<100000xf32, #tpu.memory_space<vmem>>, vector<16xf32>,
          %ge3A_181 = arith.cmpf oge, %get3A_180, %mul3A_105 : vector<16xf32>
          %convert_element_type3A_182 = arith.extui %ge3A_181 : vector<16xi1> to vector<16xi32>
          %add3A_183 = arith.addi %add3A_172, %convert_element_type3A_182 : vector<16xi32>
          %mul3A_184 = arith.constant 8 : i32
          %mul3A_185 = arith.muli %scan3A_129, %mul3A_184 : i32
          %add3A_186 = arith.constant 5 : i32
          %add3A_187 = arith.addi %mul3A_185, %add3A_186 : i32
          %mul3A_188 = arith.constant 16 : i32
          %mul3A_189 = arith.muli %add3A_187, %mul3A_188 : i32
          %get3A_190 = arith.index_cast %mul3A_189 : i32 to index
          %get3A_191 = tpu.vector_load %arg5[%get3A_190] {strides = array<i32>} : memref<100000xf32, #tpu.memory_space<vmem>>, vector<16xf32>,
          %ge3A_192 = arith.cmpf oge, %get3A_191, %mul3A_105 : vector<16xf32>
          %convert_element_type3A_193 = arith.extui %ge3A_192 : vector<16xi1> to vector<16xi32>
          %add3A_194 = arith.addi %add3A_183, %convert_element_type3A_193 : vector<16xi32>
          %mul3A_195 = arith.constant 8 : i32
          %mul3A_196 = arith.muli %scan3A_129, %mul3A_195 : i32
          %add3A_197 = arith.constant 6 : i32
          %add3A_198 = arith.addi %mul3A_196, %add3A_197 : i32
          %mul3A_199 = arith.constant 16 : i32
          %mul3A_200 = arith.muli %add3A_198, %mul3A_199 : i32
          %get3A_201 = arith.index_cast %mul3A_200 : i32 to index
          %get3A_202 = tpu.vector_load %arg5[%get3A_201] {strides = array<i32>} : memref<100000xf32, #tpu.memory_space<vmem>>, vector<16xf32>,
          %ge3A_203 = arith.cmpf oge, %get3A_202, %mul3A_105 : vector<16xf32>
          %convert_element_type3A_204 = arith.extui %ge3A_203 : vector<16xi1> to vector<16xi32>
          %add3A_205 = arith.addi %add3A_194, %convert_element_type3A_204 : vector<16xi32>
          %mul3A_206 = arith.constant 8 : i32
          %mul3A_207 = arith.muli %scan3A_129, %mul3A_206 : i32
          %add3A_208 = arith.constant 7 : i32
          %add3A_209 = arith.addi %mul3A_207, %add3A_208 : i32
          %mul3A_210 = arith.constant 16 : i32
          %mul3A_211 = arith.muli %add3A_209, %mul3A_210 : i32
          %get3A_212 = arith.index_cast %mul3A_211 : i32 to index
          %get3A_213 = tpu.vector_load %arg5[%get3A_212] {strides = array<i32>} : memref<100000xf32, #tpu.memory_space<vmem>>, vector<16xf32>,
          %ge3A_214 = arith.cmpf oge, %get3A_213, %mul3A_105 : vector<16xf32>
          %convert_element_type3A_215 = arith.extui %ge3A_214 : vector<16xi1> to vector<16xi32>
          %add3A_216 = arith.addi %add3A_205, %convert_element_type3A_215 : vector<16xi32>
          scf.yield %add3A_216 : vector<16xi32>
        }
        %scan3A_113 = arith.constant 32 : i32
        %broadcast_in_dim3A_114 = arith.constant true
        %broadcast_in_dim3A_115 = vector.broadcast %broadcast_in_dim3A_114 : i1 to vector<16xi1>
        %masked_cumsum3A = tpu.scan <sum>, %scan3A_112 masked %broadcast_in_dim3A_115 : vector<16xi32>, vector<16xi1> -> vector<16xi32>
        %rev3A = arith.constant 15 : i32
        %rev3A_116 = vector.broadcast %rev3A : i32 to vector<16xi32>
        %rev3A_117 = tpu.iota {dimensions = array<i32: 0>} : vector<16xi32>
        %rev3A_118 = arith.subi %rev3A_116, %rev3A_117 : vector<16xi32>
        %rev3A_119 = tpu.dynamic_gather %masked_cumsum3A[%rev3A_118] in [0] : vector<16xi32>, vector<16xi32> -> vector<16xi32>
        %broadcast_in_dim3A_120 = arith.constant true
        %broadcast_in_dim3A_121 = vector.broadcast %broadcast_in_dim3A_120 : i1 to vector<16xi1>
        %masked_cummax3A = arith.constant -2147483648 : i32
        %masked_cummax3A_122 = vector.broadcast %masked_cummax3A : i32 to vector<16xi32>
        %masked_cummax3A_123 = arith.xori %rev3A_119, %masked_cummax3A_122 : vector<16xi32>
        %masked_cummax3A_124 = tpu.scan <max>, %masked_cummax3A_123 masked %broadcast_in_dim3A_121 : vector<16xi32>, vector<16xi1> -> vector<16xi32>
        %masked_cummax3A_125 = arith.xori %masked_cummax3A_124, %masked_cummax3A_122 : vector<16xi32>
        %ge3A = arith.constant 100 : i32
        %ge3A_126 = vector.broadcast %ge3A : i32 to vector<16xi32>
        %ge3A_127 = arith.cmpi sge, %masked_cummax3A_125, %ge3A_126 : vector<16xi32>
        %select_n3A = arith.select %ge3A_127, %mul3A_105, %scan3A_100 : vector<16xi1>, vector<16xf32>
        %select_n3A_128 = arith.select %ge3A_127, %scan3A_101, %mul3A_105 : vector<16xi1>, vector<16xf32>
        scf.yield %select_n3A, %select_n3A_128 : vector<16xf32>, vector<16xf32>
      }
      %scan3A_22 = arith.constant 11 : i32
      %broadcast_in_dim3A_23 = arith.constant 6128 : i32
      %broadcast_in_dim3A_24 = vector.broadcast %broadcast_in_dim3A_23 : i32 to vector<16xi32>
      %add3A_25 = arith.addi %broadcast_in_dim3A_24, %iota3A : vector<16xi32>
      %scan3A_26 = arith.constant 0 : i32
      %scan3A_27 = arith.constant 666 : i32
      %scan3A_28 = arith.addi %scan3A_26, %scan3A_27 : i32
      %scan3A_29 = arith.constant 1 : i32
      %scan3A_30 = scf.for %scan3A_99 = %scan3A_26 to %scan3A_28 step %scan3A_29 iter_args(%scan3A_100 = %iota3A) -> (vector<16xi32>)  : i32 {
        %mul3A_101 = arith.constant 9 : i32
        %mul3A_102 = arith.muli %scan3A_99, %mul3A_101 : i32
        %add3A_103 = arith.constant 256 : i32
        %add3A_104 = arith.addi %add3A_103, %mul3A_102 : i32
        %add3A_105 = arith.constant 0 : i32
        %add3A_106 = arith.addi %add3A_104, %add3A_105 : i32
        %mul3A_107 = arith.constant 16 : i32
        %mul3A_108 = arith.muli %add3A_106, %mul3A_107 : i32
        %get3A = arith.index_cast %mul3A_108 : i32 to index
        %get3A_109 = tpu.vector_load %arg5[%get3A] {strides = array<i32>} : memref<100000xf32, #tpu.memory_space<vmem>>, vector<16xf32>,
        %ge3A = arith.cmpf oge, %get3A_109, %scan3A_21#0 : vector<16xf32>
        %min3A_110 = arith.minsi %scan3A_100, %add3A_25 : vector<16xi32>
        %mul3A_111 = arith.constant 16 : i32
        %mul3A_112 = arith.muli %add3A_106, %mul3A_111 : i32
        %add3A_113 = vector.broadcast %mul3A_112 : i32 to vector<16xi32>
        %add3A_114 = arith.addi %iota3A, %add3A_113 : vector<16xi32>
        tpu.vector_store_idx %arg7[%min3A_110], %add3A_114 masked %ge3A : memref<6144xi32, #tpu.memory_space<vmem>>[vector<16xi32>], vector<16xi32>, vector<16xi1>
        %convert_element_type3A = arith.extui %ge3A : vector<16xi1> to vector<16xi32>
        %shift_left3A = arith.constant 4 : i32
        %shift_left3A_115 = vector.broadcast %shift_left3A : i32 to vector<16xi32>
        %shift_left3A_116 = arith.shli %convert_element_type3A, %shift_left3A_115 : vector<16xi32>
        %add3A_117 = arith.addi %scan3A_100, %shift_left3A_116 : vector<16xi32>
        %mul3A_118 = arith.constant 9 : i32
        %mul3A_119 = arith.muli %scan3A_99, %mul3A_118 : i32
        %add3A_120 = arith.constant 256 : i32
        %add3A_121 = arith.addi %add3A_120, %mul3A_119 : i32
        %add3A_122 = arith.constant 1 : i32
        %add3A_123 = arith.addi %add3A_121, %add3A_122 : i32
        %mul3A_124 = arith.constant 16 : i32
        %mul3A_125 = arith.muli %add3A_123, %mul3A_124 : i32
        %get3A_126 = arith.index_cast %mul3A_125 : i32 to index
        %get3A_127 = tpu.vector_load %arg5[%get3A_126] {strides = array<i32>} : memref<100000xf32, #tpu.memory_space<vmem>>, vector<16xf32>,
        %ge3A_128 = arith.cmpf oge, %get3A_127, %scan3A_21#0 : vector<16xf32>
        %min3A_129 = arith.minsi %add3A_117, %add3A_25 : vector<16xi32>
        %mul3A_130 = arith.constant 16 : i32
        %mul3A_131 = arith.muli %add3A_123, %mul3A_130 : i32
        %add3A_132 = vector.broadcast %mul3A_131 : i32 to vector<16xi32>
        %add3A_133 = arith.addi %iota3A, %add3A_132 : vector<16xi32>
        tpu.vector_store_idx %arg7[%min3A_129], %add3A_133 masked %ge3A_128 : memref<6144xi32, #tpu.memory_space<vmem>>[vector<16xi32>], vector<16xi32>, vector<16xi1>
        %convert_element_type3A_134 = arith.extui %ge3A_128 : vector<16xi1> to vector<16xi32>
        %shift_left3A_135 = arith.constant 4 : i32
        %shift_left3A_136 = vector.broadcast %shift_left3A_135 : i32 to vector<16xi32>
        %shift_left3A_137 = arith.shli %convert_element_type3A_134, %shift_left3A_136 : vector<16xi32>
        %add3A_138 = arith.addi %add3A_117, %shift_left3A_137 : vector<16xi32>
        %mul3A_139 = arith.constant 9 : i32
        %mul3A_140 = arith.muli %scan3A_99, %mul3A_139 : i32
        %add3A_141 = arith.constant 256 : i32
        %add3A_142 = arith.addi %add3A_141, %mul3A_140 : i32
        %add3A_143 = arith.constant 2 : i32
        %add3A_144 = arith.addi %add3A_142, %add3A_143 : i32
        %mul3A_145 = arith.constant 16 : i32
        %mul3A_146 = arith.muli %add3A_144, %mul3A_145 : i32
        %get3A_147 = arith.index_cast %mul3A_146 : i32 to index
        %get3A_148 = tpu.vector_load %arg5[%get3A_147] {strides = array<i32>} : memref<100000xf32, #tpu.memory_space<vmem>>, vector<16xf32>,
        %ge3A_149 = arith.cmpf oge, %get3A_148, %scan3A_21#0 : vector<16xf32>
        %min3A_150 = arith.minsi %add3A_138, %add3A_25 : vector<16xi32>
        %mul3A_151 = arith.constant 16 : i32
        %mul3A_152 = arith.muli %add3A_144, %mul3A_151 : i32
        %add3A_153 = vector.broadcast %mul3A_152 : i32 to vector<16xi32>
        %add3A_154 = arith.addi %iota3A, %add3A_153 : vector<16xi32>
        tpu.vector_store_idx %arg7[%min3A_150], %add3A_154 masked %ge3A_149 : memref<6144xi32, #tpu.memory_space<vmem>>[vector<16xi32>], vector<16xi32>, vector<16xi1>
        %convert_element_type3A_155 = arith.extui %ge3A_149 : vector<16xi1> to vector<16xi32>
        %shift_left3A_156 = arith.constant 4 : i32
        %shift_left3A_157 = vector.broadcast %shift_left3A_156 : i32 to vector<16xi32>
        %shift_left3A_158 = arith.shli %convert_element_type3A_155, %shift_left3A_157 : vector<16xi32>
        %add3A_159 = arith.addi %add3A_138, %shift_left3A_158 : vector<16xi32>
        %mul3A_160 = arith.constant 9 : i32
        %mul3A_161 = arith.muli %scan3A_99, %mul3A_160 : i32
        %add3A_162 = arith.constant 256 : i32
        %add3A_163 = arith.addi %add3A_162, %mul3A_161 : i32
        %add3A_164 = arith.constant 3 : i32
        %add3A_165 = arith.addi %add3A_163, %add3A_164 : i32
        %mul3A_166 = arith.constant 16 : i32
        %mul3A_167 = arith.muli %add3A_165, %mul3A_166 : i32
        %get3A_168 = arith.index_cast %mul3A_167 : i32 to index
        %get3A_169 = tpu.vector_load %arg5[%get3A_168] {strides = array<i32>} : memref<100000xf32, #tpu.memory_space<vmem>>, vector<16xf32>,
        %ge3A_170 = arith.cmpf oge, %get3A_169, %scan3A_21#0 : vector<16xf32>
        %min3A_171 = arith.minsi %add3A_159, %add3A_25 : vector<16xi32>
        %mul3A_172 = arith.constant 16 : i32
        %mul3A_173 = arith.muli %add3A_165, %mul3A_172 : i32
        %add3A_174 = vector.broadcast %mul3A_173 : i32 to vector<16xi32>
        %add3A_175 = arith.addi %iota3A, %add3A_174 : vector<16xi32>
        tpu.vector_store_idx %arg7[%min3A_171], %add3A_175 masked %ge3A_170 : memref<6144xi32, #tpu.memory_space<vmem>>[vector<16xi32>], vector<16xi32>, vector<16xi1>
        %convert_element_type3A_176 = arith.extui %ge3A_170 : vector<16xi1> to vector<16xi32>
        %shift_left3A_177 = arith.constant 4 : i32
        %shift_left3A_178 = vector.broadcast %shift_left3A_177 : i32 to vector<16xi32>
        %shift_left3A_179 = arith.shli %convert_element_type3A_176, %shift_left3A_178 : vector<16xi32>
        %add3A_180 = arith.addi %add3A_159, %shift_left3A_179 : vector<16xi32>
        %mul3A_181 = arith.constant 9 : i32
        %mul3A_182 = arith.muli %scan3A_99, %mul3A_181 : i32
        %add3A_183 = arith.constant 256 : i32
        %add3A_184 = arith.addi %add3A_183, %mul3A_182 : i32
        %add3A_185 = arith.constant 4 : i32
        %add3A_186 = arith.addi %add3A_184, %add3A_185 : i32
        %mul3A_187 = arith.constant 16 : i32
        %mul3A_188 = arith.muli %add3A_186, %mul3A_187 : i32
        %get3A_189 = arith.index_cast %mul3A_188 : i32 to index
        %get3A_190 = tpu.vector_load %arg5[%get3A_189] {strides = array<i32>} : memref<100000xf32, #tpu.memory_space<vmem>>, vector<16xf32>,
        %ge3A_191 = arith.cmpf oge, %get3A_190, %scan3A_21#0 : vector<16xf32>
        %min3A_192 = arith.minsi %add3A_180, %add3A_25 : vector<16xi32>
        %mul3A_193 = arith.constant 16 : i32
        %mul3A_194 = arith.muli %add3A_186, %mul3A_193 : i32
        %add3A_195 = vector.broadcast %mul3A_194 : i32 to vector<16xi32>
        %add3A_196 = arith.addi %iota3A, %add3A_195 : vector<16xi32>
        tpu.vector_store_idx %arg7[%min3A_192], %add3A_196 masked %ge3A_191 : memref<6144xi32, #tpu.memory_space<vmem>>[vector<16xi32>], vector<16xi32>, vector<16xi1>
        %convert_element_type3A_197 = arith.extui %ge3A_191 : vector<16xi1> to vector<16xi32>
        %shift_left3A_198 = arith.constant 4 : i32
        %shift_left3A_199 = vector.broadcast %shift_left3A_198 : i32 to vector<16xi32>
        %shift_left3A_200 = arith.shli %convert_element_type3A_197, %shift_left3A_199 : vector<16xi32>
        %add3A_201 = arith.addi %add3A_180, %shift_left3A_200 : vector<16xi32>
        %mul3A_202 = arith.constant 9 : i32
        %mul3A_203 = arith.muli %scan3A_99, %mul3A_202 : i32
        %add3A_204 = arith.constant 256 : i32
        %add3A_205 = arith.addi %add3A_204, %mul3A_203 : i32
        %add3A_206 = arith.constant 5 : i32
        %add3A_207 = arith.addi %add3A_205, %add3A_206 : i32
        %mul3A_208 = arith.constant 16 : i32
        %mul3A_209 = arith.muli %add3A_207, %mul3A_208 : i32
        %get3A_210 = arith.index_cast %mul3A_209 : i32 to index
        %get3A_211 = tpu.vector_load %arg5[%get3A_210] {strides = array<i32>} : memref<100000xf32, #tpu.memory_space<vmem>>, vector<16xf32>,
        %ge3A_212 = arith.cmpf oge, %get3A_211, %scan3A_21#0 : vector<16xf32>
        %min3A_213 = arith.minsi %add3A_201, %add3A_25 : vector<16xi32>
        %mul3A_214 = arith.constant 16 : i32
        %mul3A_215 = arith.muli %add3A_207, %mul3A_214 : i32
        %add3A_216 = vector.broadcast %mul3A_215 : i32 to vector<16xi32>
        %add3A_217 = arith.addi %iota3A, %add3A_216 : vector<16xi32>
        tpu.vector_store_idx %arg7[%min3A_213], %add3A_217 masked %ge3A_212 : memref<6144xi32, #tpu.memory_space<vmem>>[vector<16xi32>], vector<16xi32>, vector<16xi1>
        %convert_element_type3A_218 = arith.extui %ge3A_212 : vector<16xi1> to vector<16xi32>
        %shift_left3A_219 = arith.constant 4 : i32
        %shift_left3A_220 = vector.broadcast %shift_left3A_219 : i32 to vector<16xi32>
        %shift_left3A_221 = arith.shli %convert_element_type3A_218, %shift_left3A_220 : vector<16xi32>
        %add3A_222 = arith.addi %add3A_201, %shift_left3A_221 : vector<16xi32>
        %mul3A_223 = arith.constant 9 : i32
        %mul3A_224 = arith.muli %scan3A_99, %mul3A_223 : i32
        %add3A_225 = arith.constant 256 : i32
        %add3A_226 = arith.addi %add3A_225, %mul3A_224 : i32
        %add3A_227 = arith.constant 6 : i32
        %add3A_228 = arith.addi %add3A_226, %add3A_227 : i32
        %mul3A_229 = arith.constant 16 : i32
        %mul3A_230 = arith.muli %add3A_228, %mul3A_229 : i32
        %get3A_231 = arith.index_cast %mul3A_230 : i32 to index
        %get3A_232 = tpu.vector_load %arg5[%get3A_231] {strides = array<i32>} : memref<100000xf32, #tpu.memory_space<vmem>>, vector<16xf32>,
        %ge3A_233 = arith.cmpf oge, %get3A_232, %scan3A_21#0 : vector<16xf32>
        %min3A_234 = arith.minsi %add3A_222, %add3A_25 : vector<16xi32>
        %mul3A_235 = arith.constant 16 : i32
        %mul3A_236 = arith.muli %add3A_228, %mul3A_235 : i32
        %add3A_237 = vector.broadcast %mul3A_236 : i32 to vector<16xi32>
        %add3A_238 = arith.addi %iota3A, %add3A_237 : vector<16xi32>
        tpu.vector_store_idx %arg7[%min3A_234], %add3A_238 masked %ge3A_233 : memref<6144xi32, #tpu.memory_space<vmem>>[vector<16xi32>], vector<16xi32>, vector<16xi1>
        %convert_element_type3A_239 = arith.extui %ge3A_233 : vector<16xi1> to vector<16xi32>
        %shift_left3A_240 = arith.constant 4 : i32
        %shift_left3A_241 = vector.broadcast %shift_left3A_240 : i32 to vector<16xi32>
        %shift_left3A_242 = arith.shli %convert_element_type3A_239, %shift_left3A_241 : vector<16xi32>
        %add3A_243 = arith.addi %add3A_222, %shift_left3A_242 : vector<16xi32>
        %mul3A_244 = arith.constant 9 : i32
        %mul3A_245 = arith.muli %scan3A_99, %mul3A_244 : i32
        %add3A_246 = arith.constant 256 : i32
        %add3A_247 = arith.addi %add3A_246, %mul3A_245 : i32
        %add3A_248 = arith.constant 7 : i32
        %add3A_249 = arith.addi %add3A_247, %add3A_248 : i32
        %mul3A_250 = arith.constant 16 : i32
        %mul3A_251 = arith.muli %add3A_249, %mul3A_250 : i32
        %get3A_252 = arith.index_cast %mul3A_251 : i32 to index
        %get3A_253 = tpu.vector_load %arg5[%get3A_252] {strides = array<i32>} : memref<100000xf32, #tpu.memory_space<vmem>>, vector<16xf32>,
        %ge3A_254 = arith.cmpf oge, %get3A_253, %scan3A_21#0 : vector<16xf32>
        %min3A_255 = arith.minsi %add3A_243, %add3A_25 : vector<16xi32>
        %mul3A_256 = arith.constant 16 : i32
        %mul3A_257 = arith.muli %add3A_249, %mul3A_256 : i32
        %add3A_258 = vector.broadcast %mul3A_257 : i32 to vector<16xi32>
        %add3A_259 = arith.addi %iota3A, %add3A_258 : vector<16xi32>
        tpu.vector_store_idx %arg7[%min3A_255], %add3A_259 masked %ge3A_254 : memref<6144xi32, #tpu.memory_space<vmem>>[vector<16xi32>], vector<16xi32>, vector<16xi1>
        %convert_element_type3A_260 = arith.extui %ge3A_254 : vector<16xi1> to vector<16xi32>
        %shift_left3A_261 = arith.constant 4 : i32
        %shift_left3A_262 = vector.broadcast %shift_left3A_261 : i32 to vector<16xi32>
        %shift_left3A_263 = arith.shli %convert_element_type3A_260, %shift_left3A_262 : vector<16xi32>
        %add3A_264 = arith.addi %add3A_243, %shift_left3A_263 : vector<16xi32>
        %mul3A_265 = arith.constant 9 : i32
        %mul3A_266 = arith.muli %scan3A_99, %mul3A_265 : i32
        %add3A_267 = arith.constant 256 : i32
        %add3A_268 = arith.addi %add3A_267, %mul3A_266 : i32
        %add3A_269 = arith.constant 8 : i32
        %add3A_270 = arith.addi %add3A_268, %add3A_269 : i32
        %mul3A_271 = arith.constant 16 : i32
        %mul3A_272 = arith.muli %add3A_270, %mul3A_271 : i32
        %get3A_273 = arith.index_cast %mul3A_272 : i32 to index
        %get3A_274 = tpu.vector_load %arg5[%get3A_273] {strides = array<i32>} : memref<100000xf32, #tpu.memory_space<vmem>>, vector<16xf32>,
        %ge3A_275 = arith.cmpf oge, %get3A_274, %scan3A_21#0 : vector<16xf32>
        %min3A_276 = arith.minsi %add3A_264, %add3A_25 : vector<16xi32>
        %mul3A_277 = arith.constant 16 : i32
        %mul3A_278 = arith.muli %add3A_270, %mul3A_277 : i32
        %add3A_279 = vector.broadcast %mul3A_278 : i32 to vector<16xi32>
        %add3A_280 = arith.addi %iota3A, %add3A_279 : vector<16xi32>
        tpu.vector_store_idx %arg7[%min3A_276], %add3A_280 masked %ge3A_275 : memref<6144xi32, #tpu.memory_space<vmem>>[vector<16xi32>], vector<16xi32>, vector<16xi1>
        %convert_element_type3A_281 = arith.extui %ge3A_275 : vector<16xi1> to vector<16xi32>
        %shift_left3A_282 = arith.constant 4 : i32
        %shift_left3A_283 = vector.broadcast %shift_left3A_282 : i32 to vector<16xi32>
        %shift_left3A_284 = arith.shli %convert_element_type3A_281, %shift_left3A_283 : vector<16xi32>
        %add3A_285 = arith.addi %add3A_264, %shift_left3A_284 : vector<16xi32>
        scf.yield %add3A_285 : vector<16xi32>
      }
      %scan3A_31 = arith.constant 666 : i32
      %sub3A = arith.subi %scan3A_30, %iota3A : vector<16xi32>
      %reduce_max3A = arith.constant true
      %reduce_max3A_32 = vector.broadcast %reduce_max3A : i1 to vector<16xi1>
      %reduce_max3A_33 = arith.constant -2147483648 : i32
      %reduce_max3A_34 = vector.broadcast %reduce_max3A_33 : i32 to vector<16xi32>
      %reduce_max3A_35 = arith.xori %sub3A, %reduce_max3A_34 : vector<16xi32>
      %reduce_max3A_36 = tpu.scan <max>, %reduce_max3A_35 masked %reduce_max3A_32 : vector<16xi32>, vector<16xi1> -> vector<16xi32>
      %reduce_max3A_37 = arith.xori %reduce_max3A_36, %reduce_max3A_34 : vector<16xi32>
      %reduce_max3A_38 = vector.extract %reduce_max3A_37[15] : i32 from vector<16xi32>
      %shift_right_arithmetic3A = arith.constant 4 : i32
      %shift_right_arithmetic3A_39 = arith.shrsi %reduce_max3A_38, %shift_right_arithmetic3A : i32
      %min3A = arith.constant 384 : i32
      %min3A_40 = arith.minsi %shift_right_arithmetic3A_39, %min3A : i32
      %add3A_41 = arith.constant 7 : i32
      %add3A_42 = arith.addi %min3A_40, %add3A_41 : i32
      %shift_right_arithmetic3A_43 = arith.constant 3 : i32
      %shift_right_arithmetic3A_44 = arith.shrsi %add3A_42, %shift_right_arithmetic3A_43 : i32
      %mul3A_45 = arith.constant 2 : i32
      %mul3A_46 = arith.muli %shift_right_arithmetic3A_44, %mul3A_45 : i32
      %while3A = arith.constant 0 : i32
      %while3A_47 = arith.constant 0 : i32
      %while3A_48 = arith.subi %mul3A_46, %while3A : i32
      %while3A_49 = arith.addi %while3A, %while3A_48 : i32
      %while3A_50 = arith.constant 1 : i32
      %while3A_51 = arith.divsi %while3A_48, %while3A_50 : i32
      %while3A_52 = arith.muli %while3A_51, %while3A_50 : i32
      %while3A_53 = arith.addi %while3A, %while3A_52 : i32
      %while3A_54 = arith.constant 1 : i32
      %while3A_55 = scf.for %while3A_99 = %while3A to %while3A_53 step %while3A_54 iter_args(%while3A_100 = %while3A_47) -> (i32)  : i32 {
        %mul3A_101 = arith.constant 4 : i32
        %mul3A_102 = arith.muli %while3A_99, %mul3A_101 : i32
        %add3A_103 = arith.constant 0 : i32
        %add3A_104 = arith.addi %mul3A_102, %add3A_103 : i32
        %mul3A_105 = arith.constant 16 : i32
        %mul3A_106 = arith.muli %add3A_104, %mul3A_105 : i32
        %get3A = arith.index_cast %mul3A_106 : i32 to index
        %get3A_107 = tpu.vector_load %arg7[%get3A] {strides = array<i32>} : memref<6144xi32, #tpu.memory_space<vmem>>, vector<16xi32>,
        %jit3A = arith.constant 0 : i32
        %jit3A_108 = arith.constant 99999 : i32
        %max3A = vector.broadcast %jit3A : i32 to vector<16xi32>
        %max3A_109 = arith.maxsi %max3A, %get3A_107 : vector<16xi32>
        %min3A_110 = vector.broadcast %jit3A_108 : i32 to vector<16xi32>
        %min3A_111 = arith.minsi %min3A_110, %max3A_109 : vector<16xi32>
        %gather3A = tpu.vector_load_idx %arg5[%min3A_111] : memref<100000xf32, #tpu.memory_space<vmem>>[vector<16xi32>], vector<16xf32>,
        %mul3A_112 = arith.constant 16 : i32
        %mul3A_113 = arith.muli %add3A_104, %mul3A_112 : i32
        %lt3A = vector.broadcast %mul3A_113 : i32 to vector<16xi32>
        %lt3A_114 = arith.cmpi slt, %lt3A, %sub3A : vector<16xi32>
        %broadcast_in_dim3A_115 = arith.constant -3.000000e+00 : f32
        %broadcast_in_dim3A_116 = vector.broadcast %broadcast_in_dim3A_115 : f32 to vector<16xf32>
        %select_n3A = arith.select %lt3A_114, %gather3A, %broadcast_in_dim3A_116 : vector<16xi1>, vector<16xf32>
        %mul3A_117 = arith.constant 16 : i32
        %mul3A_118 = arith.muli %add3A_104, %mul3A_117 : i32
        %swap3A = arith.index_cast %mul3A_118 : i32 to index
        %swap3A_119 = tpu.vector_load %arg6[%swap3A] {strides = array<i32>} : memref<6144xf32, #tpu.memory_space<vmem>>, vector<16xf32>,
        tpu.vector_store %arg6[%swap3A], %select_n3A {strides = array<i32>} : memref<6144xf32, #tpu.memory_space<vmem>>, vector<16xf32>,
        %mul3A_120 = arith.constant 4 : i32
        %mul3A_121 = arith.muli %while3A_99, %mul3A_120 : i32
        %add3A_122 = arith.constant 1 : i32
        %add3A_123 = arith.addi %mul3A_121, %add3A_122 : i32
        %mul3A_124 = arith.constant 16 : i32
        %mul3A_125 = arith.muli %add3A_123, %mul3A_124 : i32
        %get3A_126 = arith.index_cast %mul3A_125 : i32 to index
        %get3A_127 = tpu.vector_load %arg7[%get3A_126] {strides = array<i32>} : memref<6144xi32, #tpu.memory_space<vmem>>, vector<16xi32>,
        %jit3A_128 = arith.constant 0 : i32
        %jit3A_129 = arith.constant 99999 : i32
        %max3A_130 = vector.broadcast %jit3A_128 : i32 to vector<16xi32>
        %max3A_131 = arith.maxsi %max3A_130, %get3A_127 : vector<16xi32>
        %min3A_132 = vector.broadcast %jit3A_129 : i32 to vector<16xi32>
        %min3A_133 = arith.minsi %min3A_132, %max3A_131 : vector<16xi32>
        %gather3A_134 = tpu.vector_load_idx %arg5[%min3A_133] : memref<100000xf32, #tpu.memory_space<vmem>>[vector<16xi32>], vector<16xf32>,
        %mul3A_135 = arith.constant 16 : i32
        %mul3A_136 = arith.muli %add3A_123, %mul3A_135 : i32
        %lt3A_137 = vector.broadcast %mul3A_136 : i32 to vector<16xi32>
        %lt3A_138 = arith.cmpi slt, %lt3A_137, %sub3A : vector<16xi32>
        %broadcast_in_dim3A_139 = arith.constant -3.000000e+00 : f32
        %broadcast_in_dim3A_140 = vector.broadcast %broadcast_in_dim3A_139 : f32 to vector<16xf32>
        %select_n3A_141 = arith.select %lt3A_138, %gather3A_134, %broadcast_in_dim3A_140 : vector<16xi1>, vector<16xf32>
        %mul3A_142 = arith.constant 16 : i32
        %mul3A_143 = arith.muli %add3A_123, %mul3A_142 : i32
        %swap3A_144 = arith.index_cast %mul3A_143 : i32 to index
        %swap3A_145 = tpu.vector_load %arg6[%swap3A_144] {strides = array<i32>} : memref<6144xf32, #tpu.memory_space<vmem>>, vector<16xf32>,
        tpu.vector_store %arg6[%swap3A_144], %select_n3A_141 {strides = array<i32>} : memref<6144xf32, #tpu.memory_space<vmem>>, vector<16xf32>,
        %mul3A_146 = arith.constant 4 : i32
        %mul3A_147 = arith.muli %while3A_99, %mul3A_146 : i32
        %add3A_148 = arith.constant 2 : i32
        %add3A_149 = arith.addi %mul3A_147, %add3A_148 : i32
        %mul3A_150 = arith.constant 16 : i32
        %mul3A_151 = arith.muli %add3A_149, %mul3A_150 : i32
        %get3A_152 = arith.index_cast %mul3A_151 : i32 to index
        %get3A_153 = tpu.vector_load %arg7[%get3A_152] {strides = array<i32>} : memref<6144xi32, #tpu.memory_space<vmem>>, vector<16xi32>,
        %jit3A_154 = arith.constant 0 : i32
        %jit3A_155 = arith.constant 99999 : i32
        %max3A_156 = vector.broadcast %jit3A_154 : i32 to vector<16xi32>
        %max3A_157 = arith.maxsi %max3A_156, %get3A_153 : vector<16xi32>
        %min3A_158 = vector.broadcast %jit3A_155 : i32 to vector<16xi32>
        %min3A_159 = arith.minsi %min3A_158, %max3A_157 : vector<16xi32>
        %gather3A_160 = tpu.vector_load_idx %arg5[%min3A_159] : memref<100000xf32, #tpu.memory_space<vmem>>[vector<16xi32>], vector<16xf32>,
        %mul3A_161 = arith.constant 16 : i32
        %mul3A_162 = arith.muli %add3A_149, %mul3A_161 : i32
        %lt3A_163 = vector.broadcast %mul3A_162 : i32 to vector<16xi32>
        %lt3A_164 = arith.cmpi slt, %lt3A_163, %sub3A : vector<16xi32>
        %broadcast_in_dim3A_165 = arith.constant -3.000000e+00 : f32
        %broadcast_in_dim3A_166 = vector.broadcast %broadcast_in_dim3A_165 : f32 to vector<16xf32>
        %select_n3A_167 = arith.select %lt3A_164, %gather3A_160, %broadcast_in_dim3A_166 : vector<16xi1>, vector<16xf32>
        %mul3A_168 = arith.constant 16 : i32
        %mul3A_169 = arith.muli %add3A_149, %mul3A_168 : i32
        %swap3A_170 = arith.index_cast %mul3A_169 : i32 to index
        %swap3A_171 = tpu.vector_load %arg6[%swap3A_170] {strides = array<i32>} : memref<6144xf32, #tpu.memory_space<vmem>>, vector<16xf32>,
        tpu.vector_store %arg6[%swap3A_170], %select_n3A_167 {strides = array<i32>} : memref<6144xf32, #tpu.memory_space<vmem>>, vector<16xf32>,
        %mul3A_172 = arith.constant 4 : i32
        %mul3A_173 = arith.muli %while3A_99, %mul3A_172 : i32
        %add3A_174 = arith.constant 3 : i32
        %add3A_175 = arith.addi %mul3A_173, %add3A_174 : i32
        %mul3A_176 = arith.constant 16 : i32
        %mul3A_177 = arith.muli %add3A_175, %mul3A_176 : i32
        %get3A_178 = arith.index_cast %mul3A_177 : i32 to index
        %get3A_179 = tpu.vector_load %arg7[%get3A_178] {strides = array<i32>} : memref<6144xi32, #tpu.memory_space<vmem>>, vector<16xi32>,
        %jit3A_180 = arith.constant 0 : i32
        %jit3A_181 = arith.constant 99999 : i32
        %max3A_182 = vector.broadcast %jit3A_180 : i32 to vector<16xi32>
        %max3A_183 = arith.maxsi %max3A_182, %get3A_179 : vector<16xi32>
        %min3A_184 = vector.broadcast %jit3A_181 : i32 to vector<16xi32>
        %min3A_185 = arith.minsi %min3A_184, %max3A_183 : vector<16xi32>
        %gather3A_186 = tpu.vector_load_idx %arg5[%min3A_185] : memref<100000xf32, #tpu.memory_space<vmem>>[vector<16xi32>], vector<16xf32>,
        %mul3A_187 = arith.constant 16 : i32
        %mul3A_188 = arith.muli %add3A_175, %mul3A_187 : i32
        %lt3A_189 = vector.broadcast %mul3A_188 : i32 to vector<16xi32>
        %lt3A_190 = arith.cmpi slt, %lt3A_189, %sub3A : vector<16xi32>
        %broadcast_in_dim3A_191 = arith.constant -3.000000e+00 : f32
        %broadcast_in_dim3A_192 = vector.broadcast %broadcast_in_dim3A_191 : f32 to vector<16xf32>
        %select_n3A_193 = arith.select %lt3A_190, %gather3A_186, %broadcast_in_dim3A_192 : vector<16xi1>, vector<16xf32>
        %mul3A_194 = arith.constant 16 : i32
        %mul3A_195 = arith.muli %add3A_175, %mul3A_194 : i32
        %swap3A_196 = arith.index_cast %mul3A_195 : i32 to index
        %swap3A_197 = tpu.vector_load %arg6[%swap3A_196] {strides = array<i32>} : memref<6144xf32, #tpu.memory_space<vmem>>, vector<16xf32>,
        tpu.vector_store %arg6[%swap3A_196], %select_n3A_193 {strides = array<i32>} : memref<6144xf32, #tpu.memory_space<vmem>>, vector<16xf32>,
        %while3A_198 = arith.constant 0 : i32
        scf.yield %while3A_198 : i32
      }
      %while3A_56 = arith.constant 1 : i32
      %while3A_57 = scf.for %while3A_99 = %while3A_53 to %while3A_49 step %while3A_56 iter_args(%while3A_100 = %while3A_55) -> (i32)  : i32 {
        %mul3A_101 = arith.constant 4 : i32
        %mul3A_102 = arith.muli %while3A_99, %mul3A_101 : i32
        %add3A_103 = arith.constant 0 : i32
        %add3A_104 = arith.addi %mul3A_102, %add3A_103 : i32
        %mul3A_105 = arith.constant 16 : i32
        %mul3A_106 = arith.muli %add3A_104, %mul3A_105 : i32
        %get3A = arith.index_cast %mul3A_106 : i32 to index
        %get3A_107 = tpu.vector_load %arg7[%get3A] {strides = array<i32>} : memref<6144xi32, #tpu.memory_space<vmem>>, vector<16xi32>,
        %jit3A = arith.constant 0 : i32
        %jit3A_108 = arith.constant 99999 : i32
        %max3A = vector.broadcast %jit3A : i32 to vector<16xi32>
        %max3A_109 = arith.maxsi %max3A, %get3A_107 : vector<16xi32>
        %min3A_110 = vector.broadcast %jit3A_108 : i32 to vector<16xi32>
        %min3A_111 = arith.minsi %min3A_110, %max3A_109 : vector<16xi32>
        %gather3A = tpu.vector_load_idx %arg5[%min3A_111] : memref<100000xf32, #tpu.memory_space<vmem>>[vector<16xi32>], vector<16xf32>,
        %mul3A_112 = arith.constant 16 : i32
        %mul3A_113 = arith.muli %add3A_104, %mul3A_112 : i32
        %lt3A = vector.broadcast %mul3A_113 : i32 to vector<16xi32>
        %lt3A_114 = arith.cmpi slt, %lt3A, %sub3A : vector<16xi32>
        %broadcast_in_dim3A_115 = arith.constant -3.000000e+00 : f32
        %broadcast_in_dim3A_116 = vector.broadcast %broadcast_in_dim3A_115 : f32 to vector<16xf32>
        %select_n3A = arith.select %lt3A_114, %gather3A, %broadcast_in_dim3A_116 : vector<16xi1>, vector<16xf32>
        %mul3A_117 = arith.constant 16 : i32
        %mul3A_118 = arith.muli %add3A_104, %mul3A_117 : i32
        %swap3A = arith.index_cast %mul3A_118 : i32 to index
        %swap3A_119 = tpu.vector_load %arg6[%swap3A] {strides = array<i32>} : memref<6144xf32, #tpu.memory_space<vmem>>, vector<16xf32>,
        tpu.vector_store %arg6[%swap3A], %select_n3A {strides = array<i32>} : memref<6144xf32, #tpu.memory_space<vmem>>, vector<16xf32>,
        %mul3A_120 = arith.constant 4 : i32
        %mul3A_121 = arith.muli %while3A_99, %mul3A_120 : i32
        %add3A_122 = arith.constant 1 : i32
        %add3A_123 = arith.addi %mul3A_121, %add3A_122 : i32
        %mul3A_124 = arith.constant 16 : i32
        %mul3A_125 = arith.muli %add3A_123, %mul3A_124 : i32
        %get3A_126 = arith.index_cast %mul3A_125 : i32 to index
        %get3A_127 = tpu.vector_load %arg7[%get3A_126] {strides = array<i32>} : memref<6144xi32, #tpu.memory_space<vmem>>, vector<16xi32>,
        %jit3A_128 = arith.constant 0 : i32
        %jit3A_129 = arith.constant 99999 : i32
        %max3A_130 = vector.broadcast %jit3A_128 : i32 to vector<16xi32>
        %max3A_131 = arith.maxsi %max3A_130, %get3A_127 : vector<16xi32>
        %min3A_132 = vector.broadcast %jit3A_129 : i32 to vector<16xi32>
        %min3A_133 = arith.minsi %min3A_132, %max3A_131 : vector<16xi32>
        %gather3A_134 = tpu.vector_load_idx %arg5[%min3A_133] : memref<100000xf32, #tpu.memory_space<vmem>>[vector<16xi32>], vector<16xf32>,
        %mul3A_135 = arith.constant 16 : i32
        %mul3A_136 = arith.muli %add3A_123, %mul3A_135 : i32
        %lt3A_137 = vector.broadcast %mul3A_136 : i32 to vector<16xi32>
        %lt3A_138 = arith.cmpi slt, %lt3A_137, %sub3A : vector<16xi32>
        %broadcast_in_dim3A_139 = arith.constant -3.000000e+00 : f32
        %broadcast_in_dim3A_140 = vector.broadcast %broadcast_in_dim3A_139 : f32 to vector<16xf32>
        %select_n3A_141 = arith.select %lt3A_138, %gather3A_134, %broadcast_in_dim3A_140 : vector<16xi1>, vector<16xf32>
        %mul3A_142 = arith.constant 16 : i32
        %mul3A_143 = arith.muli %add3A_123, %mul3A_142 : i32
        %swap3A_144 = arith.index_cast %mul3A_143 : i32 to index
        %swap3A_145 = tpu.vector_load %arg6[%swap3A_144] {strides = array<i32>} : memref<6144xf32, #tpu.memory_space<vmem>>, vector<16xf32>,
        tpu.vector_store %arg6[%swap3A_144], %select_n3A_141 {strides = array<i32>} : memref<6144xf32, #tpu.memory_space<vmem>>, vector<16xf32>,
        %mul3A_146 = arith.constant 4 : i32
        %mul3A_147 = arith.muli %while3A_99, %mul3A_146 : i32
        %add3A_148 = arith.constant 2 : i32
        %add3A_149 = arith.addi %mul3A_147, %add3A_148 : i32
        %mul3A_150 = arith.constant 16 : i32
        %mul3A_151 = arith.muli %add3A_149, %mul3A_150 : i32
        %get3A_152 = arith.index_cast %mul3A_151 : i32 to index
        %get3A_153 = tpu.vector_load %arg7[%get3A_152] {strides = array<i32>} : memref<6144xi32, #tpu.memory_space<vmem>>, vector<16xi32>,
        %jit3A_154 = arith.constant 0 : i32
        %jit3A_155 = arith.constant 99999 : i32
        %max3A_156 = vector.broadcast %jit3A_154 : i32 to vector<16xi32>
        %max3A_157 = arith.maxsi %max3A_156, %get3A_153 : vector<16xi32>
        %min3A_158 = vector.broadcast %jit3A_155 : i32 to vector<16xi32>
        %min3A_159 = arith.minsi %min3A_158, %max3A_157 : vector<16xi32>
        %gather3A_160 = tpu.vector_load_idx %arg5[%min3A_159] : memref<100000xf32, #tpu.memory_space<vmem>>[vector<16xi32>], vector<16xf32>,
        %mul3A_161 = arith.constant 16 : i32
        %mul3A_162 = arith.muli %add3A_149, %mul3A_161 : i32
        %lt3A_163 = vector.broadcast %mul3A_162 : i32 to vector<16xi32>
        %lt3A_164 = arith.cmpi slt, %lt3A_163, %sub3A : vector<16xi32>
        %broadcast_in_dim3A_165 = arith.constant -3.000000e+00 : f32
        %broadcast_in_dim3A_166 = vector.broadcast %broadcast_in_dim3A_165 : f32 to vector<16xf32>
        %select_n3A_167 = arith.select %lt3A_164, %gather3A_160, %broadcast_in_dim3A_166 : vector<16xi1>, vector<16xf32>
        %mul3A_168 = arith.constant 16 : i32
        %mul3A_169 = arith.muli %add3A_149, %mul3A_168 : i32
        %swap3A_170 = arith.index_cast %mul3A_169 : i32 to index
        %swap3A_171 = tpu.vector_load %arg6[%swap3A_170] {strides = array<i32>} : memref<6144xf32, #tpu.memory_space<vmem>>, vector<16xf32>,
        tpu.vector_store %arg6[%swap3A_170], %select_n3A_167 {strides = array<i32>} : memref<6144xf32, #tpu.memory_space<vmem>>, vector<16xf32>,
        %mul3A_172 = arith.constant 4 : i32
        %mul3A_173 = arith.muli %while3A_99, %mul3A_172 : i32
        %add3A_174 = arith.constant 3 : i32
        %add3A_175 = arith.addi %mul3A_173, %add3A_174 : i32
        %mul3A_176 = arith.constant 16 : i32
        %mul3A_177 = arith.muli %add3A_175, %mul3A_176 : i32
        %get3A_178 = arith.index_cast %mul3A_177 : i32 to index
        %get3A_179 = tpu.vector_load %arg7[%get3A_178] {strides = array<i32>} : memref<6144xi32, #tpu.memory_space<vmem>>, vector<16xi32>,
        %jit3A_180 = arith.constant 0 : i32
        %jit3A_181 = arith.constant 99999 : i32
        %max3A_182 = vector.broadcast %jit3A_180 : i32 to vector<16xi32>
        %max3A_183 = arith.maxsi %max3A_182, %get3A_179 : vector<16xi32>
        %min3A_184 = vector.broadcast %jit3A_181 : i32 to vector<16xi32>
        %min3A_185 = arith.minsi %min3A_184, %max3A_183 : vector<16xi32>
        %gather3A_186 = tpu.vector_load_idx %arg5[%min3A_185] : memref<100000xf32, #tpu.memory_space<vmem>>[vector<16xi32>], vector<16xf32>,
        %mul3A_187 = arith.constant 16 : i32
        %mul3A_188 = arith.muli %add3A_175, %mul3A_187 : i32
        %lt3A_189 = vector.broadcast %mul3A_188 : i32 to vector<16xi32>
        %lt3A_190 = arith.cmpi slt, %lt3A_189, %sub3A : vector<16xi32>
        %broadcast_in_dim3A_191 = arith.constant -3.000000e+00 : f32
        %broadcast_in_dim3A_192 = vector.broadcast %broadcast_in_dim3A_191 : f32 to vector<16xf32>
        %select_n3A_193 = arith.select %lt3A_190, %gather3A_186, %broadcast_in_dim3A_192 : vector<16xi1>, vector<16xf32>
        %mul3A_194 = arith.constant 16 : i32
        %mul3A_195 = arith.muli %add3A_175, %mul3A_194 : i32
        %swap3A_196 = arith.index_cast %mul3A_195 : i32 to index
        %swap3A_197 = tpu.vector_load %arg6[%swap3A_196] {strides = array<i32>} : memref<6144xf32, #tpu.memory_space<vmem>>, vector<16xf32>,
        tpu.vector_store %arg6[%swap3A_196], %select_n3A_193 {strides = array<i32>} : memref<6144xf32, #tpu.memory_space<vmem>>, vector<16xf32>,
        %while3A_198 = arith.constant 0 : i32
        scf.yield %while3A_198 : i32
      }
      %broadcast_in_dim3A_58 = arith.constant 1.500000e+00 : f32
      %broadcast_in_dim3A_59 = vector.broadcast %broadcast_in_dim3A_58 : f32 to vector<16xf32>
      %scan3A_60 = arith.constant 0 : i32
      %scan3A_61 = arith.constant 10 : i32
      %scan3A_62 = arith.addi %scan3A_60, %scan3A_61 : i32
      %scan3A_63 = arith.constant 1 : i32
      %scan3A_64:2 = scf.for %scan3A_99 = %scan3A_60 to %scan3A_62 step %scan3A_63 iter_args(%scan3A_100 = %scan3A_21#0, %scan3A_101 = %broadcast_in_dim3A_59) -> (vector<16xf32>, vector<16xf32>)  : i32 {
        %add3A_102 = arith.addf %scan3A_100, %scan3A_101 : vector<16xf32>
        %mul3A_103 = arith.constant 5.000000e-01 : f32
        %mul3A_104 = vector.broadcast %mul3A_103 : f32 to vector<16xf32>
        %mul3A_105 = arith.mulf %mul3A_104, %add3A_102 : vector<16xf32>
        %broadcast_in_dim3A_106 = arith.constant 0 : i32
        %broadcast_in_dim3A_107 = vector.broadcast %broadcast_in_dim3A_106 : i32 to vector<16xi32>
        %scan3A_108 = arith.constant 0 : i32
        %scan3A_109 = arith.constant 32 : i32
        %scan3A_110 = arith.addi %scan3A_108, %scan3A_109 : i32
        %scan3A_111 = arith.constant 1 : i32
        %scan3A_112 = scf.for %scan3A_140 = %scan3A_108 to %scan3A_110 step %scan3A_111 iter_args(%scan3A_141 = %broadcast_in_dim3A_107) -> (vector<16xi32>)  : i32 {
          %mul3A_142 = arith.constant 8 : i32
          %mul3A_143 = arith.muli %scan3A_140, %mul3A_142 : i32
          %add3A_144 = arith.constant 0 : i32
          %add3A_145 = arith.addi %mul3A_143, %add3A_144 : i32
          %mul3A_146 = arith.constant 16 : i32
          %mul3A_147 = arith.muli %add3A_145, %mul3A_146 : i32
          %get3A = arith.index_cast %mul3A_147 : i32 to index
          %get3A_148 = tpu.vector_load %arg5[%get3A] {strides = array<i32>} : memref<100000xf32, #tpu.memory_space<vmem>>, vector<16xf32>,
          %ge3A_149 = arith.cmpf oge, %get3A_148, %mul3A_105 : vector<16xf32>
          %convert_element_type3A = arith.extui %ge3A_149 : vector<16xi1> to vector<16xi32>
          %add3A_150 = arith.addi %scan3A_141, %convert_element_type3A : vector<16xi32>
          %mul3A_151 = arith.constant 8 : i32
          %mul3A_152 = arith.muli %scan3A_140, %mul3A_151 : i32
          %add3A_153 = arith.constant 1 : i32
          %add3A_154 = arith.addi %mul3A_152, %add3A_153 : i32
          %mul3A_155 = arith.constant 16 : i32
          %mul3A_156 = arith.muli %add3A_154, %mul3A_155 : i32
          %get3A_157 = arith.index_cast %mul3A_156 : i32 to index
          %get3A_158 = tpu.vector_load %arg5[%get3A_157] {strides = array<i32>} : memref<100000xf32, #tpu.memory_space<vmem>>, vector<16xf32>,
          %ge3A_159 = arith.cmpf oge, %get3A_158, %mul3A_105 : vector<16xf32>
          %convert_element_type3A_160 = arith.extui %ge3A_159 : vector<16xi1> to vector<16xi32>
          %add3A_161 = arith.addi %add3A_150, %convert_element_type3A_160 : vector<16xi32>
          %mul3A_162 = arith.constant 8 : i32
          %mul3A_163 = arith.muli %scan3A_140, %mul3A_162 : i32
          %add3A_164 = arith.constant 2 : i32
          %add3A_165 = arith.addi %mul3A_163, %add3A_164 : i32
          %mul3A_166 = arith.constant 16 : i32
          %mul3A_167 = arith.muli %add3A_165, %mul3A_166 : i32
          %get3A_168 = arith.index_cast %mul3A_167 : i32 to index
          %get3A_169 = tpu.vector_load %arg5[%get3A_168] {strides = array<i32>} : memref<100000xf32, #tpu.memory_space<vmem>>, vector<16xf32>,
          %ge3A_170 = arith.cmpf oge, %get3A_169, %mul3A_105 : vector<16xf32>
          %convert_element_type3A_171 = arith.extui %ge3A_170 : vector<16xi1> to vector<16xi32>
          %add3A_172 = arith.addi %add3A_161, %convert_element_type3A_171 : vector<16xi32>
          %mul3A_173 = arith.constant 8 : i32
          %mul3A_174 = arith.muli %scan3A_140, %mul3A_173 : i32
          %add3A_175 = arith.constant 3 : i32
          %add3A_176 = arith.addi %mul3A_174, %add3A_175 : i32
          %mul3A_177 = arith.constant 16 : i32
          %mul3A_178 = arith.muli %add3A_176, %mul3A_177 : i32
          %get3A_179 = arith.index_cast %mul3A_178 : i32 to index
          %get3A_180 = tpu.vector_load %arg5[%get3A_179] {strides = array<i32>} : memref<100000xf32, #tpu.memory_space<vmem>>, vector<16xf32>,
          %ge3A_181 = arith.cmpf oge, %get3A_180, %mul3A_105 : vector<16xf32>
          %convert_element_type3A_182 = arith.extui %ge3A_181 : vector<16xi1> to vector<16xi32>
          %add3A_183 = arith.addi %add3A_172, %convert_element_type3A_182 : vector<16xi32>
          %mul3A_184 = arith.constant 8 : i32
          %mul3A_185 = arith.muli %scan3A_140, %mul3A_184 : i32
          %add3A_186 = arith.constant 4 : i32
          %add3A_187 = arith.addi %mul3A_185, %add3A_186 : i32
          %mul3A_188 = arith.constant 16 : i32
          %mul3A_189 = arith.muli %add3A_187, %mul3A_188 : i32
          %get3A_190 = arith.index_cast %mul3A_189 : i32 to index
          %get3A_191 = tpu.vector_load %arg5[%get3A_190] {strides = array<i32>} : memref<100000xf32, #tpu.memory_space<vmem>>, vector<16xf32>,
          %ge3A_192 = arith.cmpf oge, %get3A_191, %mul3A_105 : vector<16xf32>
          %convert_element_type3A_193 = arith.extui %ge3A_192 : vector<16xi1> to vector<16xi32>
          %add3A_194 = arith.addi %add3A_183, %convert_element_type3A_193 : vector<16xi32>
          %mul3A_195 = arith.constant 8 : i32
          %mul3A_196 = arith.muli %scan3A_140, %mul3A_195 : i32
          %add3A_197 = arith.constant 5 : i32
          %add3A_198 = arith.addi %mul3A_196, %add3A_197 : i32
          %mul3A_199 = arith.constant 16 : i32
          %mul3A_200 = arith.muli %add3A_198, %mul3A_199 : i32
          %get3A_201 = arith.index_cast %mul3A_200 : i32 to index
          %get3A_202 = tpu.vector_load %arg5[%get3A_201] {strides = array<i32>} : memref<100000xf32, #tpu.memory_space<vmem>>, vector<16xf32>,
          %ge3A_203 = arith.cmpf oge, %get3A_202, %mul3A_105 : vector<16xf32>
          %convert_element_type3A_204 = arith.extui %ge3A_203 : vector<16xi1> to vector<16xi32>
          %add3A_205 = arith.addi %add3A_194, %convert_element_type3A_204 : vector<16xi32>
          %mul3A_206 = arith.constant 8 : i32
          %mul3A_207 = arith.muli %scan3A_140, %mul3A_206 : i32
          %add3A_208 = arith.constant 6 : i32
          %add3A_209 = arith.addi %mul3A_207, %add3A_208 : i32
          %mul3A_210 = arith.constant 16 : i32
          %mul3A_211 = arith.muli %add3A_209, %mul3A_210 : i32
          %get3A_212 = arith.index_cast %mul3A_211 : i32 to index
          %get3A_213 = tpu.vector_load %arg5[%get3A_212] {strides = array<i32>} : memref<100000xf32, #tpu.memory_space<vmem>>, vector<16xf32>,
          %ge3A_214 = arith.cmpf oge, %get3A_213, %mul3A_105 : vector<16xf32>
          %convert_element_type3A_215 = arith.extui %ge3A_214 : vector<16xi1> to vector<16xi32>
          %add3A_216 = arith.addi %add3A_205, %convert_element_type3A_215 : vector<16xi32>
          %mul3A_217 = arith.constant 8 : i32
          %mul3A_218 = arith.muli %scan3A_140, %mul3A_217 : i32
          %add3A_219 = arith.constant 7 : i32
          %add3A_220 = arith.addi %mul3A_218, %add3A_219 : i32
          %mul3A_221 = arith.constant 16 : i32
          %mul3A_222 = arith.muli %add3A_220, %mul3A_221 : i32
          %get3A_223 = arith.index_cast %mul3A_222 : i32 to index
          %get3A_224 = tpu.vector_load %arg5[%get3A_223] {strides = array<i32>} : memref<100000xf32, #tpu.memory_space<vmem>>, vector<16xf32>,
          %ge3A_225 = arith.cmpf oge, %get3A_224, %mul3A_105 : vector<16xf32>
          %convert_element_type3A_226 = arith.extui %ge3A_225 : vector<16xi1> to vector<16xi32>
          %add3A_227 = arith.addi %add3A_216, %convert_element_type3A_226 : vector<16xi32>
          scf.yield %add3A_227 : vector<16xi32>
        }
        %scan3A_113 = arith.constant 32 : i32
        %while3A_114 = arith.constant 0 : i32
        %while3A_115 = arith.subi %shift_right_arithmetic3A_44, %while3A_114 : i32
        %while3A_116 = arith.addi %while3A_114, %while3A_115 : i32
        %while3A_117 = arith.constant 1 : i32
        %while3A_118 = arith.divsi %while3A_115, %while3A_117 : i32
        %while3A_119 = arith.muli %while3A_118, %while3A_117 : i32
        %while3A_120 = arith.addi %while3A_114, %while3A_119 : i32
        %while3A_121 = arith.constant 1 : i32
        %while3A_122 = scf.for %while3A_140 = %while3A_114 to %while3A_120 step %while3A_121 iter_args(%while3A_141 = %scan3A_112) -> (vector<16xi32>)  : i32 {
          %mul3A_142 = arith.constant 8 : i32
          %mul3A_143 = arith.muli %while3A_140, %mul3A_142 : i32
          %add3A_144 = arith.constant 0 : i32
          %add3A_145 = arith.addi %mul3A_143, %add3A_144 : i32
          %mul3A_146 = arith.constant 16 : i32
          %mul3A_147 = arith.muli %add3A_145, %mul3A_146 : i32
          %get3A = arith.index_cast %mul3A_147 : i32 to index
          %get3A_148 = tpu.vector_load %arg6[%get3A] {strides = array<i32>} : memref<6144xf32, #tpu.memory_space<vmem>>, vector<16xf32>,
          %ge3A_149 = arith.cmpf oge, %get3A_148, %mul3A_105 : vector<16xf32>
          %convert_element_type3A = arith.extui %ge3A_149 : vector<16xi1> to vector<16xi32>
          %add3A_150 = arith.addi %while3A_141, %convert_element_type3A : vector<16xi32>
          %mul3A_151 = arith.constant 8 : i32
          %mul3A_152 = arith.muli %while3A_140, %mul3A_151 : i32
          %add3A_153 = arith.constant 1 : i32
          %add3A_154 = arith.addi %mul3A_152, %add3A_153 : i32
          %mul3A_155 = arith.constant 16 : i32
          %mul3A_156 = arith.muli %add3A_154, %mul3A_155 : i32
          %get3A_157 = arith.index_cast %mul3A_156 : i32 to index
          %get3A_158 = tpu.vector_load %arg6[%get3A_157] {strides = array<i32>} : memref<6144xf32, #tpu.memory_space<vmem>>, vector<16xf32>,
          %ge3A_159 = arith.cmpf oge, %get3A_158, %mul3A_105 : vector<16xf32>
          %convert_element_type3A_160 = arith.extui %ge3A_159 : vector<16xi1> to vector<16xi32>
          %add3A_161 = arith.addi %add3A_150, %convert_element_type3A_160 : vector<16xi32>
          %mul3A_162 = arith.constant 8 : i32
          %mul3A_163 = arith.muli %while3A_140, %mul3A_162 : i32
          %add3A_164 = arith.constant 2 : i32
          %add3A_165 = arith.addi %mul3A_163, %add3A_164 : i32
          %mul3A_166 = arith.constant 16 : i32
          %mul3A_167 = arith.muli %add3A_165, %mul3A_166 : i32
          %get3A_168 = arith.index_cast %mul3A_167 : i32 to index
          %get3A_169 = tpu.vector_load %arg6[%get3A_168] {strides = array<i32>} : memref<6144xf32, #tpu.memory_space<vmem>>, vector<16xf32>,
          %ge3A_170 = arith.cmpf oge, %get3A_169, %mul3A_105 : vector<16xf32>
          %convert_element_type3A_171 = arith.extui %ge3A_170 : vector<16xi1> to vector<16xi32>
          %add3A_172 = arith.addi %add3A_161, %convert_element_type3A_171 : vector<16xi32>
          %mul3A_173 = arith.constant 8 : i32
          %mul3A_174 = arith.muli %while3A_140, %mul3A_173 : i32
          %add3A_175 = arith.constant 3 : i32
          %add3A_176 = arith.addi %mul3A_174, %add3A_175 : i32
          %mul3A_177 = arith.constant 16 : i32
          %mul3A_178 = arith.muli %add3A_176, %mul3A_177 : i32
          %get3A_179 = arith.index_cast %mul3A_178 : i32 to index
          %get3A_180 = tpu.vector_load %arg6[%get3A_179] {strides = array<i32>} : memref<6144xf32, #tpu.memory_space<vmem>>, vector<16xf32>,
          %ge3A_181 = arith.cmpf oge, %get3A_180, %mul3A_105 : vector<16xf32>
          %convert_element_type3A_182 = arith.extui %ge3A_181 : vector<16xi1> to vector<16xi32>
          %add3A_183 = arith.addi %add3A_172, %convert_element_type3A_182 : vector<16xi32>
          %mul3A_184 = arith.constant 8 : i32
          %mul3A_185 = arith.muli %while3A_140, %mul3A_184 : i32
          %add3A_186 = arith.constant 4 : i32
          %add3A_187 = arith.addi %mul3A_185, %add3A_186 : i32
          %mul3A_188 = arith.constant 16 : i32
          %mul3A_189 = arith.muli %add3A_187, %mul3A_188 : i32
          %get3A_190 = arith.index_cast %mul3A_189 : i32 to index
          %get3A_191 = tpu.vector_load %arg6[%get3A_190] {strides = array<i32>} : memref<6144xf32, #tpu.memory_space<vmem>>, vector<16xf32>,
          %ge3A_192 = arith.cmpf oge, %get3A_191, %mul3A_105 : vector<16xf32>
          %convert_element_type3A_193 = arith.extui %ge3A_192 : vector<16xi1> to vector<16xi32>
          %add3A_194 = arith.addi %add3A_183, %convert_element_type3A_193 : vector<16xi32>
          %mul3A_195 = arith.constant 8 : i32
          %mul3A_196 = arith.muli %while3A_140, %mul3A_195 : i32
          %add3A_197 = arith.constant 5 : i32
          %add3A_198 = arith.addi %mul3A_196, %add3A_197 : i32
          %mul3A_199 = arith.constant 16 : i32
          %mul3A_200 = arith.muli %add3A_198, %mul3A_199 : i32
          %get3A_201 = arith.index_cast %mul3A_200 : i32 to index
          %get3A_202 = tpu.vector_load %arg6[%get3A_201] {strides = array<i32>} : memref<6144xf32, #tpu.memory_space<vmem>>, vector<16xf32>,
          %ge3A_203 = arith.cmpf oge, %get3A_202, %mul3A_105 : vector<16xf32>
          %convert_element_type3A_204 = arith.extui %ge3A_203 : vector<16xi1> to vector<16xi32>
          %add3A_205 = arith.addi %add3A_194, %convert_element_type3A_204 : vector<16xi32>
          %mul3A_206 = arith.constant 8 : i32
          %mul3A_207 = arith.muli %while3A_140, %mul3A_206 : i32
          %add3A_208 = arith.constant 6 : i32
          %add3A_209 = arith.addi %mul3A_207, %add3A_208 : i32
          %mul3A_210 = arith.constant 16 : i32
          %mul3A_211 = arith.muli %add3A_209, %mul3A_210 : i32
          %get3A_212 = arith.index_cast %mul3A_211 : i32 to index
          %get3A_213 = tpu.vector_load %arg6[%get3A_212] {strides = array<i32>} : memref<6144xf32, #tpu.memory_space<vmem>>, vector<16xf32>,
          %ge3A_214 = arith.cmpf oge, %get3A_213, %mul3A_105 : vector<16xf32>
          %convert_element_type3A_215 = arith.extui %ge3A_214 : vector<16xi1> to vector<16xi32>
          %add3A_216 = arith.addi %add3A_205, %convert_element_type3A_215 : vector<16xi32>
          %mul3A_217 = arith.constant 8 : i32
          %mul3A_218 = arith.muli %while3A_140, %mul3A_217 : i32
          %add3A_219 = arith.constant 7 : i32
          %add3A_220 = arith.addi %mul3A_218, %add3A_219 : i32
          %mul3A_221 = arith.constant 16 : i32
          %mul3A_222 = arith.muli %add3A_220, %mul3A_221 : i32
          %get3A_223 = arith.index_cast %mul3A_222 : i32 to index
          %get3A_224 = tpu.vector_load %arg6[%get3A_223] {strides = array<i32>} : memref<6144xf32, #tpu.memory_space<vmem>>, vector<16xf32>,
          %ge3A_225 = arith.cmpf oge, %get3A_224, %mul3A_105 : vector<16xf32>
          %convert_element_type3A_226 = arith.extui %ge3A_225 : vector<16xi1> to vector<16xi32>
          %add3A_227 = arith.addi %add3A_216, %convert_element_type3A_226 : vector<16xi32>
          scf.yield %add3A_227 : vector<16xi32>
        }
        %while3A_123 = arith.constant 1 : i32
        %while3A_124 = scf.for %while3A_140 = %while3A_120 to %while3A_116 step %while3A_123 iter_args(%while3A_141 = %while3A_122) -> (vector<16xi32>)  : i32 {
          %mul3A_142 = arith.constant 8 : i32
          %mul3A_143 = arith.muli %while3A_140, %mul3A_142 : i32
          %add3A_144 = arith.constant 0 : i32
          %add3A_145 = arith.addi %mul3A_143, %add3A_144 : i32
          %mul3A_146 = arith.constant 16 : i32
          %mul3A_147 = arith.muli %add3A_145, %mul3A_146 : i32
          %get3A = arith.index_cast %mul3A_147 : i32 to index
          %get3A_148 = tpu.vector_load %arg6[%get3A] {strides = array<i32>} : memref<6144xf32, #tpu.memory_space<vmem>>, vector<16xf32>,
          %ge3A_149 = arith.cmpf oge, %get3A_148, %mul3A_105 : vector<16xf32>
          %convert_element_type3A = arith.extui %ge3A_149 : vector<16xi1> to vector<16xi32>
          %add3A_150 = arith.addi %while3A_141, %convert_element_type3A : vector<16xi32>
          %mul3A_151 = arith.constant 8 : i32
          %mul3A_152 = arith.muli %while3A_140, %mul3A_151 : i32
          %add3A_153 = arith.constant 1 : i32
          %add3A_154 = arith.addi %mul3A_152, %add3A_153 : i32
          %mul3A_155 = arith.constant 16 : i32
          %mul3A_156 = arith.muli %add3A_154, %mul3A_155 : i32
          %get3A_157 = arith.index_cast %mul3A_156 : i32 to index
          %get3A_158 = tpu.vector_load %arg6[%get3A_157] {strides = array<i32>} : memref<6144xf32, #tpu.memory_space<vmem>>, vector<16xf32>,
          %ge3A_159 = arith.cmpf oge, %get3A_158, %mul3A_105 : vector<16xf32>
          %convert_element_type3A_160 = arith.extui %ge3A_159 : vector<16xi1> to vector<16xi32>
          %add3A_161 = arith.addi %add3A_150, %convert_element_type3A_160 : vector<16xi32>
          %mul3A_162 = arith.constant 8 : i32
          %mul3A_163 = arith.muli %while3A_140, %mul3A_162 : i32
          %add3A_164 = arith.constant 2 : i32
          %add3A_165 = arith.addi %mul3A_163, %add3A_164 : i32
          %mul3A_166 = arith.constant 16 : i32
          %mul3A_167 = arith.muli %add3A_165, %mul3A_166 : i32
          %get3A_168 = arith.index_cast %mul3A_167 : i32 to index
          %get3A_169 = tpu.vector_load %arg6[%get3A_168] {strides = array<i32>} : memref<6144xf32, #tpu.memory_space<vmem>>, vector<16xf32>,
          %ge3A_170 = arith.cmpf oge, %get3A_169, %mul3A_105 : vector<16xf32>
          %convert_element_type3A_171 = arith.extui %ge3A_170 : vector<16xi1> to vector<16xi32>
          %add3A_172 = arith.addi %add3A_161, %convert_element_type3A_171 : vector<16xi32>
          %mul3A_173 = arith.constant 8 : i32
          %mul3A_174 = arith.muli %while3A_140, %mul3A_173 : i32
          %add3A_175 = arith.constant 3 : i32
          %add3A_176 = arith.addi %mul3A_174, %add3A_175 : i32
          %mul3A_177 = arith.constant 16 : i32
          %mul3A_178 = arith.muli %add3A_176, %mul3A_177 : i32
          %get3A_179 = arith.index_cast %mul3A_178 : i32 to index
          %get3A_180 = tpu.vector_load %arg6[%get3A_179] {strides = array<i32>} : memref<6144xf32, #tpu.memory_space<vmem>>, vector<16xf32>,
          %ge3A_181 = arith.cmpf oge, %get3A_180, %mul3A_105 : vector<16xf32>
          %convert_element_type3A_182 = arith.extui %ge3A_181 : vector<16xi1> to vector<16xi32>
          %add3A_183 = arith.addi %add3A_172, %convert_element_type3A_182 : vector<16xi32>
          %mul3A_184 = arith.constant 8 : i32
          %mul3A_185 = arith.muli %while3A_140, %mul3A_184 : i32
          %add3A_186 = arith.constant 4 : i32
          %add3A_187 = arith.addi %mul3A_185, %add3A_186 : i32
          %mul3A_188 = arith.constant 16 : i32
          %mul3A_189 = arith.muli %add3A_187, %mul3A_188 : i32
          %get3A_190 = arith.index_cast %mul3A_189 : i32 to index
          %get3A_191 = tpu.vector_load %arg6[%get3A_190] {strides = array<i32>} : memref<6144xf32, #tpu.memory_space<vmem>>, vector<16xf32>,
          %ge3A_192 = arith.cmpf oge, %get3A_191, %mul3A_105 : vector<16xf32>
          %convert_element_type3A_193 = arith.extui %ge3A_192 : vector<16xi1> to vector<16xi32>
          %add3A_194 = arith.addi %add3A_183, %convert_element_type3A_193 : vector<16xi32>
          %mul3A_195 = arith.constant 8 : i32
          %mul3A_196 = arith.muli %while3A_140, %mul3A_195 : i32
          %add3A_197 = arith.constant 5 : i32
          %add3A_198 = arith.addi %mul3A_196, %add3A_197 : i32
          %mul3A_199 = arith.constant 16 : i32
          %mul3A_200 = arith.muli %add3A_198, %mul3A_199 : i32
          %get3A_201 = arith.index_cast %mul3A_200 : i32 to index
          %get3A_202 = tpu.vector_load %arg6[%get3A_201] {strides = array<i32>} : memref<6144xf32, #tpu.memory_space<vmem>>, vector<16xf32>,
          %ge3A_203 = arith.cmpf oge, %get3A_202, %mul3A_105 : vector<16xf32>
          %convert_element_type3A_204 = arith.extui %ge3A_203 : vector<16xi1> to vector<16xi32>
          %add3A_205 = arith.addi %add3A_194, %convert_element_type3A_204 : vector<16xi32>
          %mul3A_206 = arith.constant 8 : i32
          %mul3A_207 = arith.muli %while3A_140, %mul3A_206 : i32
          %add3A_208 = arith.constant 6 : i32
          %add3A_209 = arith.addi %mul3A_207, %add3A_208 : i32
          %mul3A_210 = arith.constant 16 : i32
          %mul3A_211 = arith.muli %add3A_209, %mul3A_210 : i32
          %get3A_212 = arith.index_cast %mul3A_211 : i32 to index
          %get3A_213 = tpu.vector_load %arg6[%get3A_212] {strides = array<i32>} : memref<6144xf32, #tpu.memory_space<vmem>>, vector<16xf32>,
          %ge3A_214 = arith.cmpf oge, %get3A_213, %mul3A_105 : vector<16xf32>
          %convert_element_type3A_215 = arith.extui %ge3A_214 : vector<16xi1> to vector<16xi32>
          %add3A_216 = arith.addi %add3A_205, %convert_element_type3A_215 : vector<16xi32>
          %mul3A_217 = arith.constant 8 : i32
          %mul3A_218 = arith.muli %while3A_140, %mul3A_217 : i32
          %add3A_219 = arith.constant 7 : i32
          %add3A_220 = arith.addi %mul3A_218, %add3A_219 : i32
          %mul3A_221 = arith.constant 16 : i32
          %mul3A_222 = arith.muli %add3A_220, %mul3A_221 : i32
          %get3A_223 = arith.index_cast %mul3A_222 : i32 to index
          %get3A_224 = tpu.vector_load %arg6[%get3A_223] {strides = array<i32>} : memref<6144xf32, #tpu.memory_space<vmem>>, vector<16xf32>,
          %ge3A_225 = arith.cmpf oge, %get3A_224, %mul3A_105 : vector<16xf32>
          %convert_element_type3A_226 = arith.extui %ge3A_225 : vector<16xi1> to vector<16xi32>
          %add3A_227 = arith.addi %add3A_216, %convert_element_type3A_226 : vector<16xi32>
          scf.yield %add3A_227 : vector<16xi32>
        }
        %broadcast_in_dim3A_125 = arith.constant true
        %broadcast_in_dim3A_126 = vector.broadcast %broadcast_in_dim3A_125 : i1 to vector<16xi1>
        %masked_cumsum3A = tpu.scan <sum>, %while3A_124 masked %broadcast_in_dim3A_126 : vector<16xi32>, vector<16xi1> -> vector<16xi32>
        %rev3A = arith.constant 15 : i32
        %rev3A_127 = vector.broadcast %rev3A : i32 to vector<16xi32>
        %rev3A_128 = tpu.iota {dimensions = array<i32: 0>} : vector<16xi32>
        %rev3A_129 = arith.subi %rev3A_127, %rev3A_128 : vector<16xi32>
        %rev3A_130 = tpu.dynamic_gather %masked_cumsum3A[%rev3A_129] in [0] : vector<16xi32>, vector<16xi32> -> vector<16xi32>
        %broadcast_in_dim3A_131 = arith.constant true
        %broadcast_in_dim3A_132 = vector.broadcast %broadcast_in_dim3A_131 : i1 to vector<16xi1>
        %masked_cummax3A = arith.constant -2147483648 : i32
        %masked_cummax3A_133 = vector.broadcast %masked_cummax3A : i32 to vector<16xi32>
        %masked_cummax3A_134 = arith.xori %rev3A_130, %masked_cummax3A_133 : vector<16xi32>
        %masked_cummax3A_135 = tpu.scan <max>, %masked_cummax3A_134 masked %broadcast_in_dim3A_132 : vector<16xi32>, vector<16xi1> -> vector<16xi32>
        %masked_cummax3A_136 = arith.xori %masked_cummax3A_135, %masked_cummax3A_133 : vector<16xi32>
        %ge3A = arith.constant 100 : i32
        %ge3A_137 = vector.broadcast %ge3A : i32 to vector<16xi32>
        %ge3A_138 = arith.cmpi sge, %masked_cummax3A_136, %ge3A_137 : vector<16xi32>
        %select_n3A = arith.select %ge3A_138, %mul3A_105, %scan3A_100 : vector<16xi1>, vector<16xf32>
        %select_n3A_139 = arith.select %ge3A_138, %scan3A_101, %mul3A_105 : vector<16xi1>, vector<16xf32>
        scf.yield %select_n3A, %select_n3A_139 : vector<16xf32>, vector<16xf32>
      }
      %scan3A_65 = arith.constant 10 : i32
      %scan3A_66 = arith.constant 0 : i32
      %scan3A_67 = arith.constant 0 : i32
      %scan3A_68 = arith.constant 32 : i32
      %scan3A_69 = arith.addi %scan3A_67, %scan3A_68 : i32
      %scan3A_70 = arith.constant 1 : i32
      %scan3A_71 = scf.for %scan3A_99 = %scan3A_67 to %scan3A_69 step %scan3A_70 iter_args(%scan3A_100 = %scan3A_66) -> (i32)  : i32 {
        %broadcast_in_dim3A_101 = arith.constant -3.000000e+00 : f32
        %broadcast_in_dim3A_102 = vector.broadcast %broadcast_in_dim3A_101 : f32 to vector<16xf32>
        %mul3A_103 = arith.constant 16 : i32
        %mul3A_104 = arith.muli %scan3A_99, %mul3A_103 : i32
        %swap3A = arith.index_cast %mul3A_104 : i32 to index
        %swap3A_105 = tpu.vector_load %arg8[%swap3A] {strides = array<i32>} : memref<512xf32, #tpu.memory_space<vmem>>, vector<16xf32>,
        tpu.vector_store %arg8[%swap3A], %broadcast_in_dim3A_102 {strides = array<i32>} : memref<512xf32, #tpu.memory_space<vmem>>, vector<16xf32>,
        %scan3A_106 = arith.constant 0 : i32
        scf.yield %scan3A_106 : i32
      }
      %scan3A_72 = arith.constant 32 : i32
      %broadcast_in_dim3A_73 = arith.constant 0 : i32
      %broadcast_in_dim3A_74 = vector.broadcast %broadcast_in_dim3A_73 : i32 to vector<16xi32>
      %scan3A_75 = arith.constant 0 : i32
      %scan3A_76 = arith.constant 64 : i32
      %scan3A_77 = arith.addi %scan3A_75, %scan3A_76 : i32
      %scan3A_78 = arith.constant 1 : i32
      %scan3A_79 = scf.for %scan3A_99 = %scan3A_75 to %scan3A_77 step %scan3A_78 iter_args(%scan3A_100 = %broadcast_in_dim3A_74) -> (vector<16xi32>)  : i32 {
        %mul3A_101 = arith.constant 4 : i32
        %mul3A_102 = arith.muli %scan3A_99, %mul3A_101 : i32
        %add3A_103 = arith.constant 0 : i32
        %add3A_104 = arith.addi %mul3A_102, %add3A_103 : i32
        %mul3A_105 = arith.constant 16 : i32
        %mul3A_106 = arith.muli %add3A_104, %mul3A_105 : i32
        %get3A = arith.index_cast %mul3A_106 : i32 to index
        %get3A_107 = tpu.vector_load %arg5[%get3A] {strides = array<i32>} : memref<100000xf32, #tpu.memory_space<vmem>>, vector<16xf32>,
        %ge3A = arith.cmpf oge, %get3A_107, %scan3A_64#0 : vector<16xf32>
        %min3A_108 = arith.constant 496 : i32
        %min3A_109 = vector.broadcast %min3A_108 : i32 to vector<16xi32>
        %min3A_110 = arith.minsi %scan3A_100, %min3A_109 : vector<16xi32>
        %add3A_111 = arith.addi %min3A_110, %iota3A : vector<16xi32>
        tpu.vector_store_idx %arg8[%add3A_111], %get3A_107 masked %ge3A : memref<512xf32, #tpu.memory_space<vmem>>[vector<16xi32>], vector<16xf32>, vector<16xi1>
        %mul3A_112 = arith.constant 16 : i32
        %mul3A_113 = arith.muli %add3A_104, %mul3A_112 : i32
        %add3A_114 = vector.broadcast %mul3A_113 : i32 to vector<16xi32>
        %add3A_115 = arith.addi %iota3A, %add3A_114 : vector<16xi32>
        tpu.vector_store_idx %arg9[%add3A_111], %add3A_115 masked %ge3A : memref<512xi32, #tpu.memory_space<vmem>>[vector<16xi32>], vector<16xi32>, vector<16xi1>
        %convert_element_type3A = arith.extui %ge3A : vector<16xi1> to vector<16xi32>
        %shift_left3A = arith.constant 4 : i32
        %shift_left3A_116 = vector.broadcast %shift_left3A : i32 to vector<16xi32>
        %shift_left3A_117 = arith.shli %convert_element_type3A, %shift_left3A_116 : vector<16xi32>
        %add3A_118 = arith.addi %scan3A_100, %shift_left3A_117 : vector<16xi32>
        %mul3A_119 = arith.constant 4 : i32
        %mul3A_120 = arith.muli %scan3A_99, %mul3A_119 : i32
        %add3A_121 = arith.constant 1 : i32
        %add3A_122 = arith.addi %mul3A_120, %add3A_121 : i32
        %mul3A_123 = arith.constant 16 : i32
        %mul3A_124 = arith.muli %add3A_122, %mul3A_123 : i32
        %get3A_125 = arith.index_cast %mul3A_124 : i32 to index
        %get3A_126 = tpu.vector_load %arg5[%get3A_125] {strides = array<i32>} : memref<100000xf32, #tpu.memory_space<vmem>>, vector<16xf32>,
        %ge3A_127 = arith.cmpf oge, %get3A_126, %scan3A_64#0 : vector<16xf32>
        %min3A_128 = arith.constant 496 : i32
        %min3A_129 = vector.broadcast %min3A_128 : i32 to vector<16xi32>
        %min3A_130 = arith.minsi %add3A_118, %min3A_129 : vector<16xi32>
        %add3A_131 = arith.addi %min3A_130, %iota3A : vector<16xi32>
        tpu.vector_store_idx %arg8[%add3A_131], %get3A_126 masked %ge3A_127 : memref<512xf32, #tpu.memory_space<vmem>>[vector<16xi32>], vector<16xf32>, vector<16xi1>
        %mul3A_132 = arith.constant 16 : i32
        %mul3A_133 = arith.muli %add3A_122, %mul3A_132 : i32
        %add3A_134 = vector.broadcast %mul3A_133 : i32 to vector<16xi32>
        %add3A_135 = arith.addi %iota3A, %add3A_134 : vector<16xi32>
        tpu.vector_store_idx %arg9[%add3A_131], %add3A_135 masked %ge3A_127 : memref<512xi32, #tpu.memory_space<vmem>>[vector<16xi32>], vector<16xi32>, vector<16xi1>
        %convert_element_type3A_136 = arith.extui %ge3A_127 : vector<16xi1> to vector<16xi32>
        %shift_left3A_137 = arith.constant 4 : i32
        %shift_left3A_138 = vector.broadcast %shift_left3A_137 : i32 to vector<16xi32>
        %shift_left3A_139 = arith.shli %convert_element_type3A_136, %shift_left3A_138 : vector<16xi32>
        %add3A_140 = arith.addi %add3A_118, %shift_left3A_139 : vector<16xi32>
        %mul3A_141 = arith.constant 4 : i32
        %mul3A_142 = arith.muli %scan3A_99, %mul3A_141 : i32
        %add3A_143 = arith.constant 2 : i32
        %add3A_144 = arith.addi %mul3A_142, %add3A_143 : i32
        %mul3A_145 = arith.constant 16 : i32
        %mul3A_146 = arith.muli %add3A_144, %mul3A_145 : i32
        %get3A_147 = arith.index_cast %mul3A_146 : i32 to index
        %get3A_148 = tpu.vector_load %arg5[%get3A_147] {strides = array<i32>} : memref<100000xf32, #tpu.memory_space<vmem>>, vector<16xf32>,
        %ge3A_149 = arith.cmpf oge, %get3A_148, %scan3A_64#0 : vector<16xf32>
        %min3A_150 = arith.constant 496 : i32
        %min3A_151 = vector.broadcast %min3A_150 : i32 to vector<16xi32>
        %min3A_152 = arith.minsi %add3A_140, %min3A_151 : vector<16xi32>
        %add3A_153 = arith.addi %min3A_152, %iota3A : vector<16xi32>
        tpu.vector_store_idx %arg8[%add3A_153], %get3A_148 masked %ge3A_149 : memref<512xf32, #tpu.memory_space<vmem>>[vector<16xi32>], vector<16xf32>, vector<16xi1>
        %mul3A_154 = arith.constant 16 : i32
        %mul3A_155 = arith.muli %add3A_144, %mul3A_154 : i32
        %add3A_156 = vector.broadcast %mul3A_155 : i32 to vector<16xi32>
        %add3A_157 = arith.addi %iota3A, %add3A_156 : vector<16xi32>
        tpu.vector_store_idx %arg9[%add3A_153], %add3A_157 masked %ge3A_149 : memref<512xi32, #tpu.memory_space<vmem>>[vector<16xi32>], vector<16xi32>, vector<16xi1>
        %convert_element_type3A_158 = arith.extui %ge3A_149 : vector<16xi1> to vector<16xi32>
        %shift_left3A_159 = arith.constant 4 : i32
        %shift_left3A_160 = vector.broadcast %shift_left3A_159 : i32 to vector<16xi32>
        %shift_left3A_161 = arith.shli %convert_element_type3A_158, %shift_left3A_160 : vector<16xi32>
        %add3A_162 = arith.addi %add3A_140, %shift_left3A_161 : vector<16xi32>
        %mul3A_163 = arith.constant 4 : i32
        %mul3A_164 = arith.muli %scan3A_99, %mul3A_163 : i32
        %add3A_165 = arith.constant 3 : i32
        %add3A_166 = arith.addi %mul3A_164, %add3A_165 : i32
        %mul3A_167 = arith.constant 16 : i32
        %mul3A_168 = arith.muli %add3A_166, %mul3A_167 : i32
        %get3A_169 = arith.index_cast %mul3A_168 : i32 to index
        %get3A_170 = tpu.vector_load %arg5[%get3A_169] {strides = array<i32>} : memref<100000xf32, #tpu.memory_space<vmem>>, vector<16xf32>,
        %ge3A_171 = arith.cmpf oge, %get3A_170, %scan3A_64#0 : vector<16xf32>
        %min3A_172 = arith.constant 496 : i32
        %min3A_173 = vector.broadcast %min3A_172 : i32 to vector<16xi32>
        %min3A_174 = arith.minsi %add3A_162, %min3A_173 : vector<16xi32>
        %add3A_175 = arith.addi %min3A_174, %iota3A : vector<16xi32>
        tpu.vector_store_idx %arg8[%add3A_175], %get3A_170 masked %ge3A_171 : memref<512xf32, #tpu.memory_space<vmem>>[vector<16xi32>], vector<16xf32>, vector<16xi1>
        %mul3A_176 = arith.constant 16 : i32
        %mul3A_177 = arith.muli %add3A_166, %mul3A_176 : i32
        %add3A_178 = vector.broadcast %mul3A_177 : i32 to vector<16xi32>
        %add3A_179 = arith.addi %iota3A, %add3A_178 : vector<16xi32>
        tpu.vector_store_idx %arg9[%add3A_175], %add3A_179 masked %ge3A_171 : memref<512xi32, #tpu.memory_space<vmem>>[vector<16xi32>], vector<16xi32>, vector<16xi1>
        %convert_element_type3A_180 = arith.extui %ge3A_171 : vector<16xi1> to vector<16xi32>
        %shift_left3A_181 = arith.constant 4 : i32
        %shift_left3A_182 = vector.broadcast %shift_left3A_181 : i32 to vector<16xi32>
        %shift_left3A_183 = arith.shli %convert_element_type3A_180, %shift_left3A_182 : vector<16xi32>
        %add3A_184 = arith.addi %add3A_162, %shift_left3A_183 : vector<16xi32>
        scf.yield %add3A_184 : vector<16xi32>
      }
      %scan3A_80 = arith.constant 64 : i32
      %mul3A_81 = arith.constant 2 : i32
      %mul3A_82 = arith.muli %shift_right_arithmetic3A_44, %mul3A_81 : i32
      %while3A_83 = arith.constant 0 : i32
      %while3A_84 = arith.subi %mul3A_82, %while3A_83 : i32
      %while3A_85 = arith.addi %while3A_83, %while3A_84 : i32
      %while3A_86 = arith.constant 1 : i32
      %while3A_87 = arith.divsi %while3A_84, %while3A_86 : i32
      %while3A_88 = arith.muli %while3A_87, %while3A_86 : i32
      %while3A_89 = arith.addi %while3A_83, %while3A_88 : i32
      %while3A_90 = arith.constant 1 : i32
      %while3A_91 = scf.for %while3A_99 = %while3A_83 to %while3A_89 step %while3A_90 iter_args(%while3A_100 = %scan3A_79) -> (vector<16xi32>)  : i32 {
        %mul3A_101 = arith.constant 4 : i32
        %mul3A_102 = arith.muli %while3A_99, %mul3A_101 : i32
        %add3A_103 = arith.constant 0 : i32
        %add3A_104 = arith.addi %mul3A_102, %add3A_103 : i32
        %mul3A_105 = arith.constant 16 : i32
        %mul3A_106 = arith.muli %add3A_104, %mul3A_105 : i32
        %get3A = arith.index_cast %mul3A_106 : i32 to index
        %get3A_107 = tpu.vector_load %arg6[%get3A] {strides = array<i32>} : memref<6144xf32, #tpu.memory_space<vmem>>, vector<16xf32>,
        %mul3A_108 = arith.constant 16 : i32
        %mul3A_109 = arith.muli %add3A_104, %mul3A_108 : i32
        %get3A_110 = arith.index_cast %mul3A_109 : i32 to index
        %get3A_111 = tpu.vector_load %arg7[%get3A_110] {strides = array<i32>} : memref<6144xi32, #tpu.memory_space<vmem>>, vector<16xi32>,
        %ge3A = arith.cmpf oge, %get3A_107, %scan3A_64#0 : vector<16xf32>
        %min3A_112 = arith.constant 496 : i32
        %min3A_113 = vector.broadcast %min3A_112 : i32 to vector<16xi32>
        %min3A_114 = arith.minsi %while3A_100, %min3A_113 : vector<16xi32>
        %add3A_115 = arith.addi %min3A_114, %iota3A : vector<16xi32>
        tpu.vector_store_idx %arg8[%add3A_115], %get3A_107 masked %ge3A : memref<512xf32, #tpu.memory_space<vmem>>[vector<16xi32>], vector<16xf32>, vector<16xi1>
        tpu.vector_store_idx %arg9[%add3A_115], %get3A_111 masked %ge3A : memref<512xi32, #tpu.memory_space<vmem>>[vector<16xi32>], vector<16xi32>, vector<16xi1>
        %convert_element_type3A = arith.extui %ge3A : vector<16xi1> to vector<16xi32>
        %shift_left3A = arith.constant 4 : i32
        %shift_left3A_116 = vector.broadcast %shift_left3A : i32 to vector<16xi32>
        %shift_left3A_117 = arith.shli %convert_element_type3A, %shift_left3A_116 : vector<16xi32>
        %add3A_118 = arith.addi %while3A_100, %shift_left3A_117 : vector<16xi32>
        %mul3A_119 = arith.constant 4 : i32
        %mul3A_120 = arith.muli %while3A_99, %mul3A_119 : i32
        %add3A_121 = arith.constant 1 : i32
        %add3A_122 = arith.addi %mul3A_120, %add3A_121 : i32
        %mul3A_123 = arith.constant 16 : i32
        %mul3A_124 = arith.muli %add3A_122, %mul3A_123 : i32
        %get3A_125 = arith.index_cast %mul3A_124 : i32 to index
        %get3A_126 = tpu.vector_load %arg6[%get3A_125] {strides = array<i32>} : memref<6144xf32, #tpu.memory_space<vmem>>, vector<16xf32>,
        %mul3A_127 = arith.constant 16 : i32
        %mul3A_128 = arith.muli %add3A_122, %mul3A_127 : i32
        %get3A_129 = arith.index_cast %mul3A_128 : i32 to index
        %get3A_130 = tpu.vector_load %arg7[%get3A_129] {strides = array<i32>} : memref<6144xi32, #tpu.memory_space<vmem>>, vector<16xi32>,
        %ge3A_131 = arith.cmpf oge, %get3A_126, %scan3A_64#0 : vector<16xf32>
        %min3A_132 = arith.constant 496 : i32
        %min3A_133 = vector.broadcast %min3A_132 : i32 to vector<16xi32>
        %min3A_134 = arith.minsi %add3A_118, %min3A_133 : vector<16xi32>
        %add3A_135 = arith.addi %min3A_134, %iota3A : vector<16xi32>
        tpu.vector_store_idx %arg8[%add3A_135], %get3A_126 masked %ge3A_131 : memref<512xf32, #tpu.memory_space<vmem>>[vector<16xi32>], vector<16xf32>, vector<16xi1>
        tpu.vector_store_idx %arg9[%add3A_135], %get3A_130 masked %ge3A_131 : memref<512xi32, #tpu.memory_space<vmem>>[vector<16xi32>], vector<16xi32>, vector<16xi1>
        %convert_element_type3A_136 = arith.extui %ge3A_131 : vector<16xi1> to vector<16xi32>
        %shift_left3A_137 = arith.constant 4 : i32
        %shift_left3A_138 = vector.broadcast %shift_left3A_137 : i32 to vector<16xi32>
        %shift_left3A_139 = arith.shli %convert_element_type3A_136, %shift_left3A_138 : vector<16xi32>
        %add3A_140 = arith.addi %add3A_118, %shift_left3A_139 : vector<16xi32>
        %mul3A_141 = arith.constant 4 : i32
        %mul3A_142 = arith.muli %while3A_99, %mul3A_141 : i32
        %add3A_143 = arith.constant 2 : i32
        %add3A_144 = arith.addi %mul3A_142, %add3A_143 : i32
        %mul3A_145 = arith.constant 16 : i32
        %mul3A_146 = arith.muli %add3A_144, %mul3A_145 : i32
        %get3A_147 = arith.index_cast %mul3A_146 : i32 to index
        %get3A_148 = tpu.vector_load %arg6[%get3A_147] {strides = array<i32>} : memref<6144xf32, #tpu.memory_space<vmem>>, vector<16xf32>,
        %mul3A_149 = arith.constant 16 : i32
        %mul3A_150 = arith.muli %add3A_144, %mul3A_149 : i32
        %get3A_151 = arith.index_cast %mul3A_150 : i32 to index
        %get3A_152 = tpu.vector_load %arg7[%get3A_151] {strides = array<i32>} : memref<6144xi32, #tpu.memory_space<vmem>>, vector<16xi32>,
        %ge3A_153 = arith.cmpf oge, %get3A_148, %scan3A_64#0 : vector<16xf32>
        %min3A_154 = arith.constant 496 : i32
        %min3A_155 = vector.broadcast %min3A_154 : i32 to vector<16xi32>
        %min3A_156 = arith.minsi %add3A_140, %min3A_155 : vector<16xi32>
        %add3A_157 = arith.addi %min3A_156, %iota3A : vector<16xi32>
        tpu.vector_store_idx %arg8[%add3A_157], %get3A_148 masked %ge3A_153 : memref<512xf32, #tpu.memory_space<vmem>>[vector<16xi32>], vector<16xf32>, vector<16xi1>
        tpu.vector_store_idx %arg9[%add3A_157], %get3A_152 masked %ge3A_153 : memref<512xi32, #tpu.memory_space<vmem>>[vector<16xi32>], vector<16xi32>, vector<16xi1>
        %convert_element_type3A_158 = arith.extui %ge3A_153 : vector<16xi1> to vector<16xi32>
        %shift_left3A_159 = arith.constant 4 : i32
        %shift_left3A_160 = vector.broadcast %shift_left3A_159 : i32 to vector<16xi32>
        %shift_left3A_161 = arith.shli %convert_element_type3A_158, %shift_left3A_160 : vector<16xi32>
        %add3A_162 = arith.addi %add3A_140, %shift_left3A_161 : vector<16xi32>
        %mul3A_163 = arith.constant 4 : i32
        %mul3A_164 = arith.muli %while3A_99, %mul3A_163 : i32
        %add3A_165 = arith.constant 3 : i32
        %add3A_166 = arith.addi %mul3A_164, %add3A_165 : i32
        %mul3A_167 = arith.constant 16 : i32
        %mul3A_168 = arith.muli %add3A_166, %mul3A_167 : i32
        %get3A_169 = arith.index_cast %mul3A_168 : i32 to index
        %get3A_170 = tpu.vector_load %arg6[%get3A_169] {strides = array<i32>} : memref<6144xf32, #tpu.memory_space<vmem>>, vector<16xf32>,
        %mul3A_171 = arith.constant 16 : i32
        %mul3A_172 = arith.muli %add3A_166, %mul3A_171 : i32
        %get3A_173 = arith.index_cast %mul3A_172 : i32 to index
        %get3A_174 = tpu.vector_load %arg7[%get3A_173] {strides = array<i32>} : memref<6144xi32, #tpu.memory_space<vmem>>, vector<16xi32>,
        %ge3A_175 = arith.cmpf oge, %get3A_170, %scan3A_64#0 : vector<16xf32>
        %min3A_176 = arith.constant 496 : i32
        %min3A_177 = vector.broadcast %min3A_176 : i32 to vector<16xi32>
        %min3A_178 = arith.minsi %add3A_162, %min3A_177 : vector<16xi32>
        %add3A_179 = arith.addi %min3A_178, %iota3A : vector<16xi32>
        tpu.vector_store_idx %arg8[%add3A_179], %get3A_170 masked %ge3A_175 : memref<512xf32, #tpu.memory_space<vmem>>[vector<16xi32>], vector<16xf32>, vector<16xi1>
        tpu.vector_store_idx %arg9[%add3A_179], %get3A_174 masked %ge3A_175 : memref<512xi32, #tpu.memory_space<vmem>>[vector<16xi32>], vector<16xi32>, vector<16xi1>
        %convert_element_type3A_180 = arith.extui %ge3A_175 : vector<16xi1> to vector<16xi32>
        %shift_left3A_181 = arith.constant 4 : i32
        %shift_left3A_182 = vector.broadcast %shift_left3A_181 : i32 to vector<16xi32>
        %shift_left3A_183 = arith.shli %convert_element_type3A_180, %shift_left3A_182 : vector<16xi32>
        %add3A_184 = arith.addi %add3A_162, %shift_left3A_183 : vector<16xi32>
        scf.yield %add3A_184 : vector<16xi32>
      }
      %while3A_92 = arith.constant 1 : i32
      %while3A_93 = scf.for %while3A_99 = %while3A_89 to %while3A_85 step %while3A_92 iter_args(%while3A_100 = %while3A_91) -> (vector<16xi32>)  : i32 {
        %mul3A_101 = arith.constant 4 : i32
        %mul3A_102 = arith.muli %while3A_99, %mul3A_101 : i32
        %add3A_103 = arith.constant 0 : i32
        %add3A_104 = arith.addi %mul3A_102, %add3A_103 : i32
        %mul3A_105 = arith.constant 16 : i32
        %mul3A_106 = arith.muli %add3A_104, %mul3A_105 : i32
        %get3A = arith.index_cast %mul3A_106 : i32 to index
        %get3A_107 = tpu.vector_load %arg6[%get3A] {strides = array<i32>} : memref<6144xf32, #tpu.memory_space<vmem>>, vector<16xf32>,
        %mul3A_108 = arith.constant 16 : i32
        %mul3A_109 = arith.muli %add3A_104, %mul3A_108 : i32
        %get3A_110 = arith.index_cast %mul3A_109 : i32 to index
        %get3A_111 = tpu.vector_load %arg7[%get3A_110] {strides = array<i32>} : memref<6144xi32, #tpu.memory_space<vmem>>, vector<16xi32>,
        %ge3A = arith.cmpf oge, %get3A_107, %scan3A_64#0 : vector<16xf32>
        %min3A_112 = arith.constant 496 : i32
        %min3A_113 = vector.broadcast %min3A_112 : i32 to vector<16xi32>
        %min3A_114 = arith.minsi %while3A_100, %min3A_113 : vector<16xi32>
        %add3A_115 = arith.addi %min3A_114, %iota3A : vector<16xi32>
        tpu.vector_store_idx %arg8[%add3A_115], %get3A_107 masked %ge3A : memref<512xf32, #tpu.memory_space<vmem>>[vector<16xi32>], vector<16xf32>, vector<16xi1>
        tpu.vector_store_idx %arg9[%add3A_115], %get3A_111 masked %ge3A : memref<512xi32, #tpu.memory_space<vmem>>[vector<16xi32>], vector<16xi32>, vector<16xi1>
        %convert_element_type3A = arith.extui %ge3A : vector<16xi1> to vector<16xi32>
        %shift_left3A = arith.constant 4 : i32
        %shift_left3A_116 = vector.broadcast %shift_left3A : i32 to vector<16xi32>
        %shift_left3A_117 = arith.shli %convert_element_type3A, %shift_left3A_116 : vector<16xi32>
        %add3A_118 = arith.addi %while3A_100, %shift_left3A_117 : vector<16xi32>
        %mul3A_119 = arith.constant 4 : i32
        %mul3A_120 = arith.muli %while3A_99, %mul3A_119 : i32
        %add3A_121 = arith.constant 1 : i32
        %add3A_122 = arith.addi %mul3A_120, %add3A_121 : i32
        %mul3A_123 = arith.constant 16 : i32
        %mul3A_124 = arith.muli %add3A_122, %mul3A_123 : i32
        %get3A_125 = arith.index_cast %mul3A_124 : i32 to index
        %get3A_126 = tpu.vector_load %arg6[%get3A_125] {strides = array<i32>} : memref<6144xf32, #tpu.memory_space<vmem>>, vector<16xf32>,
        %mul3A_127 = arith.constant 16 : i32
        %mul3A_128 = arith.muli %add3A_122, %mul3A_127 : i32
        %get3A_129 = arith.index_cast %mul3A_128 : i32 to index
        %get3A_130 = tpu.vector_load %arg7[%get3A_129] {strides = array<i32>} : memref<6144xi32, #tpu.memory_space<vmem>>, vector<16xi32>,
        %ge3A_131 = arith.cmpf oge, %get3A_126, %scan3A_64#0 : vector<16xf32>
        %min3A_132 = arith.constant 496 : i32
        %min3A_133 = vector.broadcast %min3A_132 : i32 to vector<16xi32>
        %min3A_134 = arith.minsi %add3A_118, %min3A_133 : vector<16xi32>
        %add3A_135 = arith.addi %min3A_134, %iota3A : vector<16xi32>
        tpu.vector_store_idx %arg8[%add3A_135], %get3A_126 masked %ge3A_131 : memref<512xf32, #tpu.memory_space<vmem>>[vector<16xi32>], vector<16xf32>, vector<16xi1>
        tpu.vector_store_idx %arg9[%add3A_135], %get3A_130 masked %ge3A_131 : memref<512xi32, #tpu.memory_space<vmem>>[vector<16xi32>], vector<16xi32>, vector<16xi1>
        %convert_element_type3A_136 = arith.extui %ge3A_131 : vector<16xi1> to vector<16xi32>
        %shift_left3A_137 = arith.constant 4 : i32
        %shift_left3A_138 = vector.broadcast %shift_left3A_137 : i32 to vector<16xi32>
        %shift_left3A_139 = arith.shli %convert_element_type3A_136, %shift_left3A_138 : vector<16xi32>
        %add3A_140 = arith.addi %add3A_118, %shift_left3A_139 : vector<16xi32>
        %mul3A_141 = arith.constant 4 : i32
        %mul3A_142 = arith.muli %while3A_99, %mul3A_141 : i32
        %add3A_143 = arith.constant 2 : i32
        %add3A_144 = arith.addi %mul3A_142, %add3A_143 : i32
        %mul3A_145 = arith.constant 16 : i32
        %mul3A_146 = arith.muli %add3A_144, %mul3A_145 : i32
        %get3A_147 = arith.index_cast %mul3A_146 : i32 to index
        %get3A_148 = tpu.vector_load %arg6[%get3A_147] {strides = array<i32>} : memref<6144xf32, #tpu.memory_space<vmem>>, vector<16xf32>,
        %mul3A_149 = arith.constant 16 : i32
        %mul3A_150 = arith.muli %add3A_144, %mul3A_149 : i32
        %get3A_151 = arith.index_cast %mul3A_150 : i32 to index
        %get3A_152 = tpu.vector_load %arg7[%get3A_151] {strides = array<i32>} : memref<6144xi32, #tpu.memory_space<vmem>>, vector<16xi32>,
        %ge3A_153 = arith.cmpf oge, %get3A_148, %scan3A_64#0 : vector<16xf32>
        %min3A_154 = arith.constant 496 : i32
        %min3A_155 = vector.broadcast %min3A_154 : i32 to vector<16xi32>
        %min3A_156 = arith.minsi %add3A_140, %min3A_155 : vector<16xi32>
        %add3A_157 = arith.addi %min3A_156, %iota3A : vector<16xi32>
        tpu.vector_store_idx %arg8[%add3A_157], %get3A_148 masked %ge3A_153 : memref<512xf32, #tpu.memory_space<vmem>>[vector<16xi32>], vector<16xf32>, vector<16xi1>
        tpu.vector_store_idx %arg9[%add3A_157], %get3A_152 masked %ge3A_153 : memref<512xi32, #tpu.memory_space<vmem>>[vector<16xi32>], vector<16xi32>, vector<16xi1>
        %convert_element_type3A_158 = arith.extui %ge3A_153 : vector<16xi1> to vector<16xi32>
        %shift_left3A_159 = arith.constant 4 : i32
        %shift_left3A_160 = vector.broadcast %shift_left3A_159 : i32 to vector<16xi32>
        %shift_left3A_161 = arith.shli %convert_element_type3A_158, %shift_left3A_160 : vector<16xi32>
        %add3A_162 = arith.addi %add3A_140, %shift_left3A_161 : vector<16xi32>
        %mul3A_163 = arith.constant 4 : i32
        %mul3A_164 = arith.muli %while3A_99, %mul3A_163 : i32
        %add3A_165 = arith.constant 3 : i32
        %add3A_166 = arith.addi %mul3A_164, %add3A_165 : i32
        %mul3A_167 = arith.constant 16 : i32
        %mul3A_168 = arith.muli %add3A_166, %mul3A_167 : i32
        %get3A_169 = arith.index_cast %mul3A_168 : i32 to index
        %get3A_170 = tpu.vector_load %arg6[%get3A_169] {strides = array<i32>} : memref<6144xf32, #tpu.memory_space<vmem>>, vector<16xf32>,
        %mul3A_171 = arith.constant 16 : i32
        %mul3A_172 = arith.muli %add3A_166, %mul3A_171 : i32
        %get3A_173 = arith.index_cast %mul3A_172 : i32 to index
        %get3A_174 = tpu.vector_load %arg7[%get3A_173] {strides = array<i32>} : memref<6144xi32, #tpu.memory_space<vmem>>, vector<16xi32>,
        %ge3A_175 = arith.cmpf oge, %get3A_170, %scan3A_64#0 : vector<16xf32>
        %min3A_176 = arith.constant 496 : i32
        %min3A_177 = vector.broadcast %min3A_176 : i32 to vector<16xi32>
        %min3A_178 = arith.minsi %add3A_162, %min3A_177 : vector<16xi32>
        %add3A_179 = arith.addi %min3A_178, %iota3A : vector<16xi32>
        tpu.vector_store_idx %arg8[%add3A_179], %get3A_170 masked %ge3A_175 : memref<512xf32, #tpu.memory_space<vmem>>[vector<16xi32>], vector<16xf32>, vector<16xi1>
        tpu.vector_store_idx %arg9[%add3A_179], %get3A_174 masked %ge3A_175 : memref<512xi32, #tpu.memory_space<vmem>>[vector<16xi32>], vector<16xi32>, vector<16xi1>
        %convert_element_type3A_180 = arith.extui %ge3A_175 : vector<16xi1> to vector<16xi32>
        %shift_left3A_181 = arith.constant 4 : i32
        %shift_left3A_182 = vector.broadcast %shift_left3A_181 : i32 to vector<16xi32>
        %shift_left3A_183 = arith.shli %convert_element_type3A_180, %shift_left3A_182 : vector<16xi32>
        %add3A_184 = arith.addi %add3A_162, %shift_left3A_183 : vector<16xi32>
        scf.yield %add3A_184 : vector<16xi32>
      }
      %mul3A_94 = arith.constant 512 : i32
      %mul3A_95 = arith.muli %add3A_11, %mul3A_94 : i32
      "tpu.region"() ({
        %run_scoped3A = tpu.sem_alloc : memref<!tpu.dma_semaphore, #tpu.memory_space<semaphore_mem>>
        %dma_start3A = arith.constant 0 : i32
        %dma_start3A_99 = tpu.memref_slice %arg8[%dma_start3A] : memref<512xf32, #tpu.memory_space<vmem>> -> memref<512xf32, #tpu.memory_space<vmem>>
        %dma_start3A_100 = tpu.memref_slice %arg3[%mul3A_95] : memref<2097152xf32, #tpu.memory_space<hbm>> -> memref<512xf32, #tpu.memory_space<hbm>>
        %dma_start3A_101 = tpu.memref_slice %arg3[%mul3A_95] : memref<2097152xf32, #tpu.memory_space<hbm>> -> memref<512xf32, #tpu.memory_space<hbm>>
        %dma_start3A_102 = arith.constant 0 : i32
        %dma_start3A_103 = tpu.memref_slice %arg8[%dma_start3A_102] : memref<512xf32, #tpu.memory_space<vmem>> -> memref<512xf32, #tpu.memory_space<vmem>>
        tpu.enqueue_dma source(%dma_start3A_103 : memref<512xf32, #tpu.memory_space<vmem>>) target(%dma_start3A_101 : memref<512xf32, #tpu.memory_space<hbm>>) target_semaphore(%run_scoped3A : memref<!tpu.dma_semaphore, #tpu.memory_space<semaphore_mem>>)
        %dma_wait3A = arith.constant 0 : i32
        %dma_wait3A_104 = tpu.memref_slice %arg8[%dma_wait3A] : memref<512xf32, #tpu.memory_space<vmem>> -> memref<512xf32, #tpu.memory_space<vmem>>
        %dma_wait3A_105 = tpu.memref_slice %arg3[%mul3A_95] : memref<2097152xf32, #tpu.memory_space<hbm>> -> memref<512xf32, #tpu.memory_space<hbm>>
        %dma_wait3A_106 = tpu.memref_slice %arg3[%mul3A_95] : memref<2097152xf32, #tpu.memory_space<hbm>> -> memref<512xf32, #tpu.memory_space<hbm>>
        %dma_wait3A_107 = arith.constant 0 : i32
        %dma_wait3A_108 = tpu.memref_slice %arg8[%dma_wait3A_107] : memref<512xf32, #tpu.memory_space<vmem>> -> memref<512xf32, #tpu.memory_space<vmem>>
        tpu.wait_dma2 semaphore(%run_scoped3A : memref<!tpu.dma_semaphore, #tpu.memory_space<semaphore_mem>>) src(%dma_wait3A_108 : memref<512xf32, #tpu.memory_space<vmem>>) dst(%dma_wait3A_106 : memref<512xf32, #tpu.memory_space<hbm>>)
        tpu.yield
      }) : () -> ()
      %mul3A_96 = arith.constant 512 : i32
      %mul3A_97 = arith.muli %add3A_11, %mul3A_96 : i32
      "tpu.region"() ({
        %run_scoped3A = tpu.sem_alloc : memref<!tpu.dma_semaphore, #tpu.memory_space<semaphore_mem>>
        %dma_start3A = arith.constant 0 : i32
        %dma_start3A_99 = tpu.memref_slice %arg9[%dma_start3A] : memref<512xi32, #tpu.memory_space<vmem>> -> memref<512xi32, #tpu.memory_space<vmem>>
        %dma_start3A_100 = tpu.memref_slice %arg4[%mul3A_97] : memref<2097152xi32, #tpu.memory_space<hbm>> -> memref<512xi32, #tpu.memory_space<hbm>>
        %dma_start3A_101 = tpu.memref_slice %arg4[%mul3A_97] : memref<2097152xi32, #tpu.memory_space<hbm>> -> memref<512xi32, #tpu.memory_space<hbm>>
        %dma_start3A_102 = arith.constant 0 : i32
        %dma_start3A_103 = tpu.memref_slice %arg9[%dma_start3A_102] : memref<512xi32, #tpu.memory_space<vmem>> -> memref<512xi32, #tpu.memory_space<vmem>>
        tpu.enqueue_dma source(%dma_start3A_103 : memref<512xi32, #tpu.memory_space<vmem>>) target(%dma_start3A_101 : memref<512xi32, #tpu.memory_space<hbm>>) target_semaphore(%run_scoped3A : memref<!tpu.dma_semaphore, #tpu.memory_space<semaphore_mem>>)
        %dma_wait3A = arith.constant 0 : i32
        %dma_wait3A_104 = tpu.memref_slice %arg9[%dma_wait3A] : memref<512xi32, #tpu.memory_space<vmem>> -> memref<512xi32, #tpu.memory_space<vmem>>
        %dma_wait3A_105 = tpu.memref_slice %arg4[%mul3A_97] : memref<2097152xi32, #tpu.memory_space<hbm>> -> memref<512xi32, #tpu.memory_space<hbm>>
        %dma_wait3A_106 = tpu.memref_slice %arg4[%mul3A_97] : memref<2097152xi32, #tpu.memory_space<hbm>> -> memref<512xi32, #tpu.memory_space<hbm>>
        %dma_wait3A_107 = arith.constant 0 : i32
        %dma_wait3A_108 = tpu.memref_slice %arg9[%dma_wait3A_107] : memref<512xi32, #tpu.memory_space<vmem>> -> memref<512xi32, #tpu.memory_space<vmem>>
        tpu.wait_dma2 semaphore(%run_scoped3A : memref<!tpu.dma_semaphore, #tpu.memory_space<semaphore_mem>>) src(%dma_wait3A_108 : memref<512xi32, #tpu.memory_space<vmem>>) dst(%dma_wait3A_106 : memref<512xi32, #tpu.memory_space<hbm>>)
        tpu.yield
      }) : () -> ()
      %scan3A_98 = arith.constant 0 : i32
      scf.yield %scan3A_98 : i32
    }
    %scan3A_6 = arith.constant 128 : i32
    return
  }
}

module attributes {stable_mosaic.version = 14 : i64} {
  func.func @_matmul_body(%arg0: i32, %arg1: i32, %arg2: memref<1024x128xf32, #tpu.memory_space<vmem>>, %arg3: memref<1024x128xf32, #tpu.memory_space<vmem>>, %arg4: memref<1024x1024xf32, #tpu.memory_space<vmem>>) attributes {dimension_semantics = [#tpu.dimension_semantics<arbitrary>, #tpu.dimension_semantics<arbitrary>], iteration_bounds = array<i64: 4, 98>, scalar_prefetch = 0 : i64, scratch_operands = 0 : i64, tpu.core_type = #tpu.core_type<tc>, window_params = [{transform_indices = @transform_0, window_bounds = array<i64: 1024, 128>}, {transform_indices = @transform_1, window_bounds = array<i64: 1024, 128>}, {transform_indices = @transform_2, window_bounds = array<i64: 1024, 1024>}]} {
    %get3A = arith.constant 0 : index
    %get3A_0 = arith.constant 0 : index
    %get3A_1 = vector.load %arg2[%get3A, %get3A_0] : memref<1024x128xf32, #tpu.memory_space<vmem>>, vector<1024x128xf32>
    %get3A_2 = arith.constant 0 : index
    %get3A_3 = arith.constant 0 : index
    %get3A_4 = vector.load %arg3[%get3A_2, %get3A_3] : memref<1024x128xf32, #tpu.memory_space<vmem>>, vector<1024x128xf32>
    %dot_general3A = arith.constant dense<0.000000e+00> : vector<1024x1024xf32>
    %dot_general3A_5 = tpu.matmul %get3A_1, %get3A_4, %dot_general3A {dimension_numbers = #tpu.dot_dimension_numbers<[1], [1], [0], [0], [0, 0, 1, 0], [], []>, transpose_lhs_hint = false} : vector<1024x128xf32>, vector<1024x128xf32>, vector<1024x1024xf32> -> vector<1024x1024xf32>
    %swap3A = arith.constant 0 : index
    %swap3A_6 = arith.constant 0 : index
    %swap3A_7 = vector.load %arg4[%swap3A, %swap3A_6] : memref<1024x1024xf32, #tpu.memory_space<vmem>>, vector<1024x1024xf32>
    tpu.vector_store %arg4[%swap3A, %swap3A_6], %dot_general3A_5 {strides = array<i32>} : memref<1024x1024xf32, #tpu.memory_space<vmem>>, vector<1024x1024xf32>,
    return
  }
  func.func @transform_0(%arg0: i32, %arg1: i32) -> (i32, i32) {
    %c0_i32 = arith.constant 0 : i32
    %c0_i32_0 = arith.constant 0 : i32
    return %arg0, %c0_i32 : i32, i32
  }
  func.func @transform_1(%arg0: i32, %arg1: i32) -> (i32, i32) {
    %c0_i32 = arith.constant 0 : i32
    %c0_i32_0 = arith.constant 0 : i32
    return %arg1, %c0_i32 : i32, i32
  }
  func.func @transform_2(%arg0: i32, %arg1: i32) -> (i32, i32) {
    %c0_i32 = arith.constant 0 : i32
    return %arg0, %arg1 : i32, i32
  }
}

</mosaic_0001>

<sc_bundles>
// kernel: kernel.4.cloned.1.call-start
scs
__scs_entry_jumppad:
0x0: {  	(pc) =	sbr.rel $0x88, $3  }
0x1: {  	(tag) =	ssettag $0x0;
	lr =	simm.s32 $0x1  }
0x2: {  	[smem:$0x3F9F] =	sst lr;
	_ =	strace $0xD0000000  }
0x3: {  	_ = 	snop  }
0x4: {  	_ = 	snop  }
0x5: {  	_ = 	snop  }
0x6: {  	_ = 	snop  }
0x7: {  	_ = 	snop  }
__scs_overlays_trampoline_lowered:
0x8: {  	[smem:$0x3FAE] =	sst s0  }
0x9: {  	[smem:$0x3FAF] =	sst s1  }
0xa: {  	[smem:$0x3FB0] =	sst s2  }
0xb: {  	[smem:$0x3FB1] =	sst s3  }
0xc: {  	[smem:$0x3FB2] =	sst s4  }
0xd: {  	[smem:$0x3FB3] =	sst s5  }
0xe: {  	[smem:$0x3FB4] =	sst s6  }
0xf: {  	[smem:$0x3FB5] =	sst s7  }
0x10: {  	[smem:$0x3FB6] =	sst s8  }
0x11: {  	[smem:$0x3FB7] =	sst s9;
	s0 =	simm.s32 @!p0 $0x0  }
0x12: {  	s1 =	sld [smem:$0x3F9D];
	s0 =	simm.s32 @p0 $0x1  }
0x13: {  	[smem:$0x3FB8] =	sst s0;
	s0 =	simm.s32 @!p1 $0x0  }
0x14: {  	s2 =	sld [smem:$0x3F9C];
	s0 =	simm.s32 @p1 $0x1  }
0x15: {  	[smem:$0x3FB9] =	sst s0;
	s0 =	simm.s32 @!p2 $0x0  }
0x16: {  	s3 =	sld [smem:$0x3FDB];
	s0 =	simm.s32 @p2 $0x1  }
0x17: {  	s4 =	simm.s32 $0x1BF5;
	[smem:$0x3FBB] =	sst s0  }
0x18: {  	s0 =	sld [smem:$0x3F9E];
	_ =	swait.ge [sflag:s4], $0x0  }
0x19: {  	s7 =	sld [smem:$0x3F9F]  }
0x1a: {  	s8 =	sadd.s32 $0xFFFFE003, lr  }
0x1b: {  	s9 =	sadd.s32 $0xFFFFFEF7, lr;
	s5 =	simm.s32 $0xFFFFFFFF;
	p2 =	slt.u32 s8, $0xFFFFF086  }
0x1c: {  	p1 =	slt.u32 s9, $0xF7A;
	s5 =	simm.s32 @!p2 $0x0  }
0x1d: {  	s5 =	simm.s32 @p1 $0x1;
	p0 =	seq.s32 s7, s2  }
0x1e: {  	s7 =	smul.u32 @!p0 $0xF7A, s2;
	p2 =	seq.s32 @!p0 s5, $0x0  }
0x1f: {  	s9 =	smul.u32 $0xF7A, s1;
	s8 =	simm.s32 @!p0 $0x1BF5;
	p2 =	por !p2, p0  }
0x20: {  	[sflag:s8] =	ssyncset.s32 @!p0 $0xFFFFF086;
	s6 =	sadd.s32 @!p0 s3, s7;
	s7 =	simm.s32 @!p0 $0x108  }
0x21: {  	s3 =	sadd.s32 s3, s9;
	s6 =	sadd.s32 @!p0 $0x88, s6;
	s7 =	simm.s32 @p2 $0x1082  }
0x22: {  	[simem:s7], [sflag:s8] =	dma.local @!p0 [hbm:s6], $0xF7A  }
0x23: {  	s9 =	sor.u32 $0xD0000000, s2;
	s6 =	simm.s32 $0x108;
	_ =	swait.ge @!p0 [sflag:s8], $0x0  }
0x24: {  	s3 =	sadd.s32 $0x88, s3;
	s6 =	simm.s32 @!p1 $0x1082;
	[sflag:s4] =	ssyncset.s32 $0xFFFFF086  }
0x25: {  	[simem:s6], [sflag:s4] =	dma.local [hbm:s3], $0xF7A  }
0x26: {  	[smem:$0x3F9F] =	sst s1;
	(tag) =	ssettag s2;
	_ =	strace s9  }
0x27: {  	s1 =	sld [smem:$0x3FAF]  }
0x28: {  	s2 =	sld [smem:$0x3FB0]  }
0x29: {  	s4 =	sld [smem:$0x3FB2]  }
0x2a: {  	p0 =	seq.s32 s5, $0x0;
	s5 =	sld [smem:$0x3FB3]  }
0x2b: {  	s6 =	sld [smem:$0x3FB4]  }
0x2c: {  	s7 =	sld [smem:$0x3FB5]  }
0x2d: {  	s3 =	simm.s32 $0x108;
	s8 =	sld [smem:$0x3FB6]  }
0x2e: {  	s3 =	simm.s32 @!p0 $0x1082;
	s9 =	sld [smem:$0x3FB7]  }
0x2f: {  	lr =	sadd.s32 s0, s3;
	s0 =	sld [smem:$0x3FAE]  }
0x30: {  	s3 =	sld [smem:$0x3FB1]  }
0x31: {  	[smem:$0x3FBA] =	sst s10  }
0x32: {  	s10 =	sld [smem:$0x3FB8];
	_ =	sdelay $0x3  }
0x33: {  	p0 =	seq.s32 s10, $0x1;
	s10 =	sld [smem:$0x3FBA];
	_ =	sdelay $0x3  }
0x34: {  	[smem:$0x3FBA] =	sst s10  }
0x35: {  	s10 =	sld [smem:$0x3FB9];
	_ =	sdelay $0x3  }
0x36: {  	p1 =	seq.s32 s10, $0x1;
	s10 =	sld [smem:$0x3FBA];
	_ =	sdelay $0x3  }
0x37: {  	[smem:$0x3FBA] =	sst s10  }
0x38: {  	s10 =	sld [smem:$0x3FBB]  }
0x39: {  	_ = 	snop;
	(pc) =	sbr.ind lr, $3  }
0x3a: {  	_ = 	snop  }
0x3b: {  	_ = 	snop  }
0x3c: {  	p2 =	seq.s32 s10, $0x1;
	s10 =	sld [smem:$0x3FBA]  }
0x3d: {  	_ =	shalt  }
0x3e: {  	_ =	shalt  }
0x3f: {  	_ =	shalt  }
0x40: {  	_ =	shalt  }
0x41: {  	_ =	shalt  }
0x42: {  	_ =	shalt  }
0x43: {  	_ =	shalt  }
0x44: {  	_ =	shalt  }
0x45: {  	_ =	shalt  }
0x46: {  	_ =	shalt  }
0x47: {  	_ =	shalt  }
0x48: {  	_ =	shalt  }
0x49: {  	_ =	shalt  }
0x4a: {  	_ =	shalt  }
0x4b: {  	_ =	shalt  }
0x4c: {  	_ =	shalt  }
0x4d: {  	_ =	shalt  }
0x4e: {  	_ =	shalt  }
0x4f: {  	_ =	shalt  }
0x50: {  	_ =	shalt  }
0x51: {  	_ =	shalt  }
0x52: {  	_ =	shalt  }
0x53: {  	_ =	shalt  }
0x54: {  	_ =	shalt  }
0x55: {  	_ =	shalt  }
0x56: {  	_ =	shalt  }
0x57: {  	_ =	shalt  }
0x58: {  	_ =	shalt  }
0x59: {  	_ =	shalt  }
0x5a: {  	_ =	shalt  }
0x5b: {  	_ =	shalt  }
0x5c: {  	_ =	shalt  }
0x5d: {  	_ =	shalt  }
0x5e: {  	_ =	shalt  }
0x5f: {  	_ =	shalt  }
0x60: {  	_ =	shalt  }
0x61: {  	_ =	shalt  }
0x62: {  	_ =	shalt  }
0x63: {  	_ =	shalt  }
0x64: {  	_ =	shalt  }
0x65: {  	_ =	shalt  }
0x66: {  	_ =	shalt  }
0x67: {  	_ =	shalt  }
0x68: {  	_ =	shalt  }
0x69: {  	_ =	shalt  }
0x6a: {  	_ =	shalt  }
0x6b: {  	_ =	shalt  }
0x6c: {  	_ =	shalt  }
0x6d: {  	_ =	shalt  }
0x6e: {  	_ =	shalt  }
0x6f: {  	_ =	shalt  }
0x70: {  	_ =	shalt  }
0x71: {  	_ =	shalt  }
0x72: {  	_ =	shalt  }
0x73: {  	_ =	shalt  }
0x74: {  	_ =	shalt  }
0x75: {  	_ =	shalt  }
0x76: {  	_ =	shalt  }
0x77: {  	_ =	shalt  }
0x78: {  	_ =	shalt  }
0x79: {  	_ =	shalt  }
0x7a: {  	_ =	shalt  }
0x7b: {  	_ =	shalt  }
0x7c: {  	_ =	shalt  }
0x7d: {  	_ =	shalt  }
0x7e: {  	_ =	shalt  }
0x7f: {  	_ =	shalt  }
0x80: {  	_ =	shalt  }
0x81: {  	_ =	shalt  }
0x82: {  	_ =	shalt  }
0x83: {  	_ =	shalt  }
0x84: {  	_ =	shalt  }
0x85: {  	_ =	shalt  }
0x86: {  	_ =	shalt  }
0x87: {  	_ =	shalt  }
.Lfunc_end0:
.L_simem_size_0:
called_computation.1_lowered:
.L_overlay_start_0:
0x88: {  	s2 =	sld [smem:$0x3FD9]  }
0x89: {  	s3 =	sld [smem:$0x3FFE];
	_ =	sdelay $0x1  }
0x8a: {  	s1 =	srdreg.scid  }
0x8b: {  	s0 =	sand.u32 $0x1, s1  }
0x8c: {  	s16 =	sshll.u32 s0, $0xA;
	s2 =	sadd.s32 s3, s2  }
0x8d: {  	s2 =	sadd.s32 s2, s16  }
0x8e: {  	[smem:$0x3FC6] =	sst s2  }
0x8f: {  	_ = 	snop  }
0x90: {  	(tm) =	ssettm $0x1  }
0x91: {  	s17 =	sld [smem:$0x3FFB];
	_ =	sdelay $0x3  }
0x92: {  	_ =	strace s17  }
0x93: {  	s2 =	sld [smem:$0x3FFC];
	_ =	sdelay $0x3  }
0x94: {  	_ =	strace s2  }
0x95: {  	s2 =	sld [smem:$0x3FFD];
	_ =	sdelay $0x3  }
0x96: {  	_ =	strace s2  }
0x97: {  	_ =	strace $0x8FFFFFFF  }
0x98: {  	s18 =	sld [smem:$0x3FDB];
	_ =	sdelay $0x1  }
0x99: {  	s19 =	simm.s32 $_scs_section_size  }
0x9a: {  	s4 =	simm.s32 $_size__tile_overlayer_lowered;
	s5 =	simm.s32 $_tile_overlayer_lowered  }
0x9b: {  	s22 =	simm.s32 $0x1BFF;
	s21 =	sshll.u32 s5, $0x1;
	s2 =	sadd.s32 s19, s18  }
0x9c: {  	s6 =	simm.s32 $0x0;
	s20 =	sshll.u32 s4, $0x1;
	s4 =	sadd.s32 s21, s2  }
0x9d: {  	[timem:s6], [sflag:s22] =	dma.local [hbm:s4], s20  }
0x9e: {  	_ =	swait.ge [sflag:s22], s20  }
0x9f: {  	s3 =	ssub.s32 $0x0, s20;
	[sflag:s22] =	ssyncset.done $0x0  }
0xa0: {  	[sflag:s22] =	ssyncadd.s32 s3;
	_ =	sdelay $0x1  }
0xa1: {  	s23 =	simm.s32 $0x1B8B  }
0xa2: {  	_ =	swait.ge [sflag:s23], $0x1  }
0xa3: {  	[sflag:s23] =	ssyncset.done $0x0  }
0xa4: {  	s25 =	simm.s32 $0x1B8E;
	s24 =	sld [smem:$0x3FFE];
	[sflag:s23] =	ssyncadd.s32 $0xFFFFFFFF  }
0xa5: {  	s26 =	simm.s32 $execute0_lowered;
	[smem:$0x3FD2] =	sst s25  }
0xa6: {  	s4 =	sshll.u32 s26, $0x1;
	_ =	strace $0x80000049;
	[dreg:$0x1] =	wrdreg $0xFFFFFFFF  }
0xa7: {  	s28 =	simm.s32 $_size_execute0_lowered;
	s2 =	sadd.s32 s2, s4;
	[dreg:$0x0] =	wrdreg $0x0  }
0xa8: {  	s4 =	sshll.u32 s28, $0x1;
	[dreg:$0x2] =	wrdreg s2  }
0xa9: {  	[dreg:$0x3] =	wrdreg s4  }
0xaa: {  	[dreg:$0x4] =	wrdreg $0xC0  }
0xab: {  	_ =	task [dreg:s6], $0x5FFFF  }
0xac: {  	[dreg:$0x1] =	wrdreg $0xFFFFFFFF  }
0xad: {  	[dreg:$0x0] =	wrdreg $0x60  }
0xae: {  	[dreg:$0x2] =	wrdreg s24  }
0xaf: {  	[dreg:$0x3] =	wrdreg $0x9  }
0xb0: {  	_ =	task.clear_ibuf [dreg:s6], $0x4FFFF;
	_ =	strace $0x90000049  }
0xb1: {  	s29 =	simm.s32 $0x9;
	_ =	strace $0x8000004B  }
0xb2: {  	_ =	swait.ge [sflag:s29], $0x1  }
0xb3: {  	[sflag:s29] =	ssyncadd.s32 $0xFFFFFFFF  }
0xb4: {  	_ =	strace $0x9000004B  }
0xb5: {  	_ =	sfence  }
0xb6: {  	s30 =	sld [smem:$0x0];
	_ =	sdelay $0x2  }
0xb7: {  	s31 =	sshll.u32 s1, $0xD;
	s1 =	sshrl.u32 s1, $0x2  }
0xb8: {  	s3 =	sand.u32 $0x4000, s31;
	s1 =	sadd.s32 s1, s30  }
0xb9: {  	s0 =	sor.u32 s3, s0;
	s1 =	sshll.u32 s1, $0x11  }
0xba: {  	s0 =	sor.u32 s1, s0  }
0xbb: {  	s0 =	sadd.s32 $0x8F2B, s0  }
0xbc: {  	[sflag:s0] =	ssyncadd.remote.s32 $0x1  }
0xbd: {  	_ =	sfence.sel $0xFFFF  }
0xbe: {  	[dreg:$0x0] =	wrdreg $0xFFFFFFFF;
	(pc) =	sbr.abs _section_cstart, $3  }
0xbf: {  	[dreg:$0x1] =	wrdreg $0xFFFFFFFF  }
0xc0: {  	_ =	task.clear_ibuf [dreg:s6], $0x2FFFF;
	_ =	strace $0x9FFFFFFF  }
0xc1: {  	(tm) =	ssettm $0x7FFFFFFF  }
tec
execute0_lowered:
.L_overlay_start_1:
0x0: {  	(tag) =	ssettag $0x1  }
0x1: {  	s1 =	rddreg [dreg:$0x0]  }
0x2: {  	s0 =	rddreg [dreg:$0x1]  }
0x3: {  	s2 =	simm.s32 $0x0;
	s3 =	srdreg.scid;
	s10 =	simm.s32 $0x1B700  }
0x4: {  	s11 =	simm.s32 $0x1B900;
	s12 =	simm.s32 $0x0;
	[smem:$0x7FF] =	sst s2  }
.Ltmp0:
0x5: {  	s5 =	sand.u32 $0x1, s3;
	s4 =	sadd.s32 $0x340EA00, s1;
	(pc) =	sbr.rel .LBB2_1-.Ltmp0, $4  }
0x6: {  	v0 =	vlaneseq.u32;
	s3 =	stileid.u32;
	_ =	strace $0x8000004A;
	s6 =	ssub.s32 $0x2, s5  }
0x7: {  	v1 =	vmul.u32 $0xFFFFFFFF, v0;
	s8 =	sshll.u32 s3, $0x8;
	s9 =	sshll.u32 s5, $0x7;
	s7 =	sshrl.u32 s6, $0x1  }
0x8: {  	v2 =	vimm.s32 $0x0;
	s5 =	sadd.s32 $0x40000, s1;
	s7 =	ssub.s32 s6, s7;
	s6 =	sor.u32 s9, s8  }
0x9: {  	v5 =	vimm.f32 $-3.000000000e+00;
	v3 =	vor.u32 $0x17F0, v0;
	v4 =	vadd.s32 $0xF, v1;
	s8 =	simm.s32 $0x1;
	s9 =	simm.s32 $0x19F00;
	s7 =	smax.u32 s7, $0x1  }
.LBB2_27:
0xa: {  	s12 =	sadd.s32 $0x1, s12  }
0xb: {  	p0 =	sne.s32 s12, s7  }
.Ltmp1:
0xc: {  	_ = 	snop;
	(pc) =	sbr.rel @!p0 .LBB2_28-.Ltmp1, $1  }
0xd: {  	_ =	sdelay $0x3  }
.LBB2_1:
.Ltmp2:
0xe: {  	(pc) =	sbr.rel .LBB2_2-.Ltmp2, $2  }
0xf: {  	_ =	sdelay $0x2  }
0x10: {  	s13 =	simm.s32 $0x0  }
.LBB2_26:
0x11: {  	s14 =	sshll.u32 s14, $0x6  }
0x12: {  	s15 =	sadd.s32 s1, s14  }
0x13: {  	[hbm4b:s15+s2] =	stream.linear.scatter [tilespmem:s10], [sflag:$0x1], $0x200, $0x38;
	[tilespmem:$0x1BB00] =	vst v63  }
0x14: {  	s13 =	sadd.s32 $0x1, s13;
	_ =	swait.ge [sflag:s8], $0x200  }
0x15: {  	p0 =	sne.s32 s13, $0x80;
	[sflag:s8] =	ssyncset.done $0x0  }
.Ltmp3:
0x16: {  	s14 =	sadd.s32 s5, s14;
	[sflag:s8] =	ssyncadd.s32 $0xFFFFFE00;
	(pc) =	sbr.rel @!p0 .LBB2_27-.Ltmp3, $4  }
0x17: {  	[hbm4b:s14+s2] =	stream.linear.scatter [tilespmem:s11], [sflag:$0x1], $0x200, $0x38;
	[tilespmem:$0x1BB00] =	vst v63  }
0x18: {  	_ =	swait.ge [sflag:s8], $0x200  }
0x19: {  	[sflag:s8] =	ssyncset.done $0x0  }
0x1a: {  	[sflag:s8] =	ssyncadd.s32 $0xFFFFFE00  }
.LBB2_2:
0x1b: {  	s14 =	sadd.s32 s6, s13  }
0x1c: {  	s15 =	smul.u32 $0x3100, s14;
	_ =	sdelay $0x1  }
0x1d: {  	s16 =	sadd.s32 s4, s15;
	s15 =	simm.s32 $0x0  }
0x1e: {  	[tilespmem:s15], [sflag:$0x1] =	stream.linear.gather [hbm4b:s16+s15], $0x186A0, $0x38;
	[tilespmem:$0x1BB00] =	vst v63  }
0x1f: {  	_ =	swait.ge [sflag:s8], $0x186A0  }
0x20: {  	[sflag:s8] =	ssyncset.done $0x0  }
0x21: {  	v6 =	vimm.f32 $-1.500000000e+00;
	v7 =	vimm.f32 $1.500000000e+00;
	[sflag:s8] =	ssyncadd.s32 $0xFFFE7960  }
.LBB2_3:
0x22: {  	s18 =	simm.s32 $0x0  }
0x23: {  	v9 =	vld [tilespmem:s18+$0x0]  }
0x24: {  	v8 =	vadd.f32 v7, v6;
	v11 =	vld [tilespmem:s18+$0x10]  }
0x25: {  	v13 =	vld [tilespmem:s18+$0x20]  }
0x26: {  	v12 =	vld [tilespmem:s18+$0x30];
	v8 =	vmul.f32 $5.000000000e-01, v8  }
0x27: {  	v10 =	vld [tilespmem:s18+$0x40]  }
0x28: {  	vm0 =	vge.f32 v9, v8;
	v9 =	vld [tilespmem:s18+$0x50]  }
0x29: {  	v14 =	vimm.s32 $0x0;
	v15 =	vsel vm0, $0x1, v2;
	vm0 =	vge.f32 v11, v8;
	v11 =	vld [tilespmem:s18+$0x60]  }
0x2a: {  	s16 =	simm.s32 $0x80;
	s17 =	simm.s32 $0x400;
	v14 =	vadd.s32 v15, v14;
	v15 =	vsel vm0, $0x1, v2;
	vm0 =	vge.f32 v13, v8;
	v13 =	vld [tilespmem:s18+$0x70]  }
.LBB2_4:
0x2b: {  	p0 =	sne.s32 s17, $0x3E00;
	v16 =	vld [tilespmem:s16+$0x0];
	v14 =	vadd.s32 v15, v14;
	v15 =	vsel vm0, $0x1, v2;
	vm0 =	vge.f32 v12, v8  }
0x2c: {  	v17 =	vld [tilespmem:s16+$0x10];
	v12 =	vadd.s32 v15, v14;
	v14 =	vsel vm0, $0x1, v2;
	vm0 =	vge.f32 v10, v8  }
0x2d: {  	v18 =	vld [tilespmem:s16+$0x20];
	v10 =	vadd.s32 v14, v12;
	v14 =	vsel vm0, $0x1, v2;
	vm0 =	vge.f32 v9, v8  }
.Ltmp4:
0x2e: {  	v12 =	vld [tilespmem:s16+$0x30];
	v9 =	vadd.s32 v14, v10;
	v14 =	vsel vm0, $0x1, v2;
	vm0 =	vge.f32 v11, v8;
	(pc) =	sbr.rel @p0 .LBB2_4-.Ltmp4, $4  }
0x2f: {  	v10 =	vld [tilespmem:s16+$0x40];
	v11 =	vadd.s32 v14, v9;
	v14 =	vsel vm0, $0x1, v2;
	vm0 =	vge.f32 v13, v8  }
0x30: {  	vm1 =	vge.f32 v16, v8;
	v9 =	vld [tilespmem:s16+$0x50];
	v13 =	vadd.s32 v14, v11;
	v14 =	vsel vm0, $0x1, v2  }
0x31: {  	v15 =	vsel vm1, $0x1, v2;
	vm0 =	vge.f32 v17, v8;
	v11 =	vld [tilespmem:s16+$0x60];
	v13 =	vadd.s32 v14, v13  }
0x32: {  	v14 =	vadd.s32 v15, v13;
	v15 =	vsel vm0, $0x1, v2;
	vm0 =	vge.f32 v18, v8;
	v13 =	vld [tilespmem:s16+$0x70];
	s16 =	sshra.s32 s17, $0x2;
	s17 =	sadd.s32 $0x200, s17  }
0x33: {  	v16 =	vld [tilespmem:s16+$0x0];
	v14 =	vadd.s32 v15, v14;
	v52 =	vsel vm0, $0x1, v2;
	vm15 =	vge.f32 v12, v8  }
0x34: {  	v53 =	vld [tilespmem:s16+$0x10];
	v14 =	vadd.s32 v52, v14;
	v54 =	vsel vm15, $0x1, v2;
	vm4 =	vge.f32 v10, v8  }
0x35: {  	v10 =	vld [tilespmem:s16+$0x20];
	v14 =	vadd.s32 v54, v14;
	v55 =	vsel vm4, $0x1, v2;
	vm5 =	vge.f32 v9, v8  }
0x36: {  	v9 =	vld [tilespmem:s16+$0x30];
	v14 =	vadd.s32 v55, v14;
	v56 =	vsel vm5, $0x1, v2;
	vm6 =	vge.f32 v11, v8  }
0x37: {  	v11 =	vld [tilespmem:s16+$0x40];
	v14 =	vadd.s32 v56, v14;
	v57 =	vsel vm6, $0x1, v2;
	vm7 =	vge.f32 v13, v8  }
0x38: {  	v58 =	vld [tilespmem:s16+$0x50];
	vm1 =	vge.f32 v16, v8;
	v14 =	vadd.s32 v57, v14;
	v59 =	vsel vm7, $0x1, v2  }
0x39: {  	v60 =	vld [tilespmem:s16+$0x60];
	vm8 =	vge.f32 v53, v8;
	v16 =	vsel vm1, $0x1, v2;
	v14 =	vadd.s32 v59, v14  }
0x3a: {  	v61 =	vsel vm8, $0x1, v2;
	vm9 =	vge.f32 v10, v8;
	v10 =	vld [tilespmem:s16+$0x70];
	v14 =	vadd.s32 v16, v14  }
0x3b: {  	v62 =	vsel vm9, $0x1, v2;
	vm10 =	vge.f32 v9, v8;
	v14 =	vadd.s32 v61, v14  }
0x3c: {  	v63 =	vsel vm10, $0x1, v2;
	vm11 =	vge.f32 v11, v8;
	v9 =	vadd.s32 v62, v14  }
0x3d: {  	vm12 =	vge.f32 v58, v8;
	v11 =	vsel vm11, $0x1, v2;
	v9 =	vadd.s32 v63, v9  }
0x3e: {  	vm13 =	vge.f32 v60, v8;
	v9 =	vadd.s32 v11, v9;
	v11 =	vsel vm12, $0x1, v2  }
0x3f: {  	vm14 =	vge.f32 v10, v8;
	v9 =	vadd.s32 v11, v9;
	v11 =	vsel vm13, $0x1, v2  }
0x40: {  	v10 =	vsel vm14, $0x1, v2;
	v9 =	vadd.s32 v11, v9  }
0x41: {  	v9 =	vadd.s32 v10, v9  }
0x42: {  	(xrf0) =	vadd.scan.msk.s32 $0xffff, v9;
	_ =	sdelay $0x2  }
0x43: {  	v9 =	vlaneseq.u32  }
0x44: {  	v10 =	vmul.u32 $0xFFFFFFFF, v9;
	_ =	sdelay $0x1  }
0x45: {  	v10 =	vadd.s32 $0xF, v10;
	v11, _, _ =	vpop (xrf0)  }
0x46: {  	v10 =	vperm.xlane v11, v10;
	_ =	sdelay $0x1  }
0x47: {  	v10 =	vxor.u32 $0x80000000, v10  }
0x48: {  	(xrf0) =	vmax.scan.msk.u32 $0xffff, v10;
	_ =	sdelay $0x1  }
0x49: {  	s15 =	sadd.s32 $0x1, s15  }
0x4a: {  	p0 =	sne.s32 s15, $0xB  }
.Ltmp5:
0x4b: {  	_ = 	snop;
	(pc) =	sbr.rel @p0 .LBB2_3-.Ltmp5, $4  }
0x4c: {  	_ = 	snop  }
0x4d: {  	v10, _, _ =	vpop (xrf0)  }
0x4e: {  	vm15 =	vgt.u32 v10, $0x80000063  }
0x4f: {  	v6 =	vsel vm15, v8, v6;
	v7 =	vsel vm15, v7, v8  }
0x50: {  	s15 =	simm.s32 $0x1080;
	s16 =	simm.s32 $0x1070  }
.LBB2_7:
0x51: {  	s17 =	sadd.s32 $0xFFFFEF80, s15;
	s18 =	sadd.s32 $0xFFFFFF80, s15  }
0x52: {  	s19 =	sand.u32 $0x7FF80, s18;
	s17 =	sand.u32 $0x70, s17  }
0x53: {  	s19 =	sor.u32 s17, s19  }
0x54: {  	v7 =	vld [tilespmem:s19+$0x0];
	_ =	sdelay $0x4  }
0x55: {  	vm1 =	vlt.s32 v9, v3;
	vm0 =	vge.f32 v7, v6  }
0x56: {  	v7 =	vsel vm1, v9, v3;
	_ =	sdelay $0x3  }
0x57: {  	v8 =	vor.u32 s18, v0  }
0x58: {  	[tilespmem:v7+s9+$0x0] =	vst.idx.msk vm0, v8  }
0x59: {  	v7 =	vld [tilespmem:s16+$0xFFFFFFA0];
	_ =	sdelay $0x2  }
0x5a: {  	v8 =	vsel vm0, $0x10, v2  }
0x5b: {  	v8 =	vadd.s32 v9, v8  }
0x5c: {  	vm13 =	vlt.s32 v8, v3;
	vm12 =	vge.f32 v7, v6  }
0x5d: {  	v7 =	vsel vm13, v8, v3;
	_ =	sdelay $0x2  }
0x5e: {  	s23 =	sadd.s32 $0xFFFFFF90, s15  }
0x5f: {  	v9 =	vor.u32 s23, v0  }
0x60: {  	[tilespmem:v7+s9+$0x0] =	vst.idx.msk vm12, v9  }
0x61: {  	v7 =	vld [tilespmem:s16+$0xFFFFFFB0];
	_ =	sdelay $0x2  }
0x62: {  	v9 =	vsel vm12, $0x10, v2  }
0x63: {  	v8 =	vadd.s32 v8, v9  }
0x64: {  	vm15 =	vlt.s32 v8, v3;
	vm14 =	vge.f32 v7, v6  }
0x65: {  	v7 =	vsel vm15, v8, v3;
	_ =	sdelay $0x2  }
0x66: {  	s24 =	sadd.s32 $0xFFFFFFA0, s15  }
0x67: {  	v9 =	vor.u32 s24, v0  }
0x68: {  	[tilespmem:v7+s9+$0x0] =	vst.idx.msk vm14, v9  }
0x69: {  	v7 =	vld [tilespmem:s16+$0xFFFFFFC0];
	_ =	sdelay $0x2  }
0x6a: {  	v9 =	vsel vm14, $0x10, v2  }
0x6b: {  	v8 =	vadd.s32 v8, v9  }
0x6c: {  	vm5 =	vlt.s32 v8, v3;
	vm4 =	vge.f32 v7, v6  }
0x6d: {  	v7 =	vsel vm5, v8, v3;
	_ =	sdelay $0x2  }
0x6e: {  	s25 =	sadd.s32 $0xFFFFFFB0, s15  }
0x6f: {  	v9 =	vor.u32 s25, v0  }
0x70: {  	[tilespmem:v7+s9+$0x0] =	vst.idx.msk vm4, v9  }
0x71: {  	v7 =	vld [tilespmem:s16+$0xFFFFFFD0];
	_ =	sdelay $0x2  }
0x72: {  	v9 =	vsel vm4, $0x10, v2  }
0x73: {  	v8 =	vadd.s32 v8, v9  }
0x74: {  	vm7 =	vlt.s32 v8, v3;
	vm6 =	vge.f32 v7, v6  }
0x75: {  	v7 =	vsel vm7, v8, v3;
	_ =	sdelay $0x2  }
0x76: {  	s26 =	sadd.s32 $0xFFFFFFC0, s15  }
0x77: {  	v9 =	vor.u32 s26, v0  }
0x78: {  	[tilespmem:v7+s9+$0x0] =	vst.idx.msk vm6, v9  }
0x79: {  	v7 =	vld [tilespmem:s16+$0xFFFFFFE0];
	_ =	sdelay $0x2  }
0x7a: {  	v9 =	vsel vm6, $0x10, v2  }
0x7b: {  	v8 =	vadd.s32 v8, v9  }
0x7c: {  	vm9 =	vlt.s32 v8, v3;
	vm8 =	vge.f32 v7, v6  }
0x7d: {  	v7 =	vsel vm9, v8, v3;
	_ =	sdelay $0x2  }
0x7e: {  	s28 =	sadd.s32 $0xFFFFFFD0, s15  }
0x7f: {  	v9 =	vor.u32 s28, v0  }
0x80: {  	[tilespmem:v7+s9+$0x0] =	vst.idx.msk vm8, v9  }
0x81: {  	v7 =	vld [tilespmem:s16+$0xFFFFFFF0];
	_ =	sdelay $0x2  }
0x82: {  	v9 =	vsel vm8, $0x10, v2  }
0x83: {  	v8 =	vadd.s32 v8, v9  }
0x84: {  	vm11 =	vlt.s32 v8, v3;
	vm10 =	vge.f32 v7, v6  }
0x85: {  	v7 =	vsel vm11, v8, v3;
	_ =	sdelay $0x2  }
0x86: {  	s29 =	sadd.s32 $0xFFFFFFE0, s15  }
0x87: {  	v9 =	vor.u32 s29, v0  }
0x88: {  	[tilespmem:v7+s9+$0x0] =	vst.idx.msk vm10, v9  }
0x89: {  	v7 =	vld [tilespmem:s16+$0x0];
	_ =	sdelay $0x2  }
0x8a: {  	v9 =	vsel vm10, $0x10, v2  }
0x8b: {  	v8 =	vadd.s32 v8, v9  }
0x8c: {  	vm13 =	vlt.s32 v8, v3;
	vm12 =	vge.f32 v7, v6  }
0x8d: {  	v7 =	vsel vm13, v8, v3;
	_ =	sdelay $0x2  }
0x8e: {  	s30 =	sadd.s32 $0xFFFFFFF0, s15  }
0x8f: {  	s31 =	sand.u32 $0x7FF80, s15;
	v9 =	vor.u32 s30, v0  }
0x90: {  	s17 =	sor.u32 s17, s31;
	[tilespmem:v7+s9+$0x0] =	vst.idx.msk vm12, v9  }
0x91: {  	v7 =	vld [tilespmem:s17+$0x0];
	_ =	sdelay $0x2  }
0x92: {  	v9 =	vsel vm12, $0x10, v2  }
0x93: {  	v8 =	vadd.s32 v8, v9  }
0x94: {  	vm15 =	vlt.s32 v8, v3;
	vm14 =	vge.f32 v7, v6  }
0x95: {  	p0 =	sne.s32 s15, $0x18690;
	v7 =	vsel vm15, v8, v3  }
.Ltmp6:
0x96: {  	_ = 	snop;
	(pc) =	sbr.rel @p0 .LBB2_7-.Ltmp6, $3  }
0x97: {  	_ =	sdelay $0x1  }
0x98: {  	v9 =	vor.u32 s15, v0;
	v10 =	vsel vm14, $0x10, v2  }
0x99: {  	s16 =	sadd.s32 $0x90, s16;
	s15 =	sadd.s32 $0x90, s15;
	[tilespmem:v7+s9+$0x0] =	vst.idx.msk vm14, v9;
	v9 =	vadd.s32 v8, v10  }
0x9a: {  	v7 =	vadd.s32 v1, v9  }
0x9b: {  	v8 =	vxor.u32 $0x80000000, v7  }
0x9c: {  	(xrf0) =	vmax.scan.msk.u32 $0xffff, v8;
	_ =	sdelay $0x5  }
0x9d: {  	v8, _, _ =	vpop (xrf0)  }
0x9e: {  	(v2sf) =	vpush v8, $0xF;
	_ =	sdelay $0xe  }
0x9f: {  	s15 =	spop (v2sf)  }
0xa0: {  	s15 =	sshra.s32 s15, $0x4  }
0xa1: {  	s15 =	sxor.u32 $0xF8000000, s15  }
0xa2: {  	p0 =	slt.s32 s15, $0x180  }
0xa3: {  	s15 =	simm.s32 @!p0 $0x180  }
0xa4: {  	s15 =	sadd.s32 $0x7, s15  }
0xa5: {  	s16 =	sshra.s32 s15, $0x3  }
0xa6: {  	p0 =	sgt.s32 s16, $0x0  }
.Ltmp7:
0xa7: {  	_ = 	snop;
	(pc) =	sbr.rel @!p0 .LBB2_11-.Ltmp7, $2  }
0xa8: {  	_ =	sdelay $0x2  }
0xa9: {  	s15 =	sshll.u32 s16, $0x1  }
0xaa: {  	s17 =	simm.s32 $0x0  }
0xab: {  	s18 =	simm.s32 $0x18720;
	s19 =	simm.s32 $0x19F20;
	s20 =	smov.u32 s15  }
.LBB2_10:
0xac: {  	v8 =	vld [tilespmem:s19+$0xFFFFFFE0];
	_ =	sdelay $0x4  }
0xad: {  	vm0 =	vgt.s32 v8, $0x0  }
0xae: {  	v8 =	vnsel vm0, $0x0, v8  }
0xaf: {  	v8 =	vmin.u32 v8, $0x1869F;
	_ =	sdelay $0x4  }
0xb0: {  	v8 =	vld.idx.msk [tilespmem:v8+s2+$0x0], $0xffff;
	_ =	sdelay $0x2  }
0xb1: {  	v9 =	vmov s17  }
0xb2: {  	vm9 =	vlt.s32 v9, v7  }
0xb3: {  	v8 =	vnsel vm9, $0xC0400000, v8  }
0xb4: {  	[tilespmem:s18+$0xFFFFFFE0] =	vst v8  }
0xb5: {  	v8 =	vld [tilespmem:s19+$0xFFFFFFF0];
	_ =	sdelay $0x4  }
0xb6: {  	vm10 =	vgt.s32 v8, $0x0  }
0xb7: {  	v8 =	vnsel vm10, $0x0, v8  }
0xb8: {  	v8 =	vmin.u32 v8, $0x1869F;
	_ =	sdelay $0x4  }
0xb9: {  	v8 =	vld.idx.msk [tilespmem:v8+s2+$0x0], $0xffff;
	_ =	sdelay $0x1  }
0xba: {  	s21 =	sadd.s32 $0x10, s17  }
0xbb: {  	v61 =	vmov s21  }
0xbc: {  	vm11 =	vlt.s32 v61, v7  }
0xbd: {  	v8 =	vnsel vm11, $0xC0400000, v8  }
0xbe: {  	[tilespmem:s18+$0xFFFFFFF0] =	vst v8  }
0xbf: {  	v8 =	vld [tilespmem:s19+$0x0];
	_ =	sdelay $0x4  }
0xc0: {  	vm12 =	vgt.s32 v8, $0x0  }
0xc1: {  	v8 =	vnsel vm12, $0x0, v8  }
0xc2: {  	v8 =	vmin.u32 v8, $0x1869F;
	_ =	sdelay $0x4  }
0xc3: {  	v8 =	vld.idx.msk [tilespmem:v8+s2+$0x0], $0xffff;
	_ =	sdelay $0x1  }
0xc4: {  	s30 =	sadd.s32 $0x20, s17  }
0xc5: {  	v62 =	vmov s30  }
0xc6: {  	vm13 =	vlt.s32 v62, v7  }
0xc7: {  	v8 =	vnsel vm13, $0xC0400000, v8  }
0xc8: {  	[tilespmem:s18+$0x0] =	vst v8  }
0xc9: {  	v8 =	vld [tilespmem:s19+$0x10];
	_ =	sdelay $0x4  }
0xca: {  	vm14 =	vgt.s32 v8, $0x0  }
0xcb: {  	v8 =	vnsel vm14, $0x0, v8  }
0xcc: {  	v8 =	vmin.u32 v8, $0x1869F;
	_ =	sdelay $0x4  }
0xcd: {  	v8 =	vld.idx.msk [tilespmem:v8+s2+$0x0], $0xffff  }
0xce: {  	p1 =	seq.s32 s20, $0x1  }
.Ltmp8:
0xcf: {  	s31 =	sadd.s32 $0x30, s17;
	(pc) =	sbr.rel @!p1 .LBB2_10-.Ltmp8, $4  }
0xd0: {  	v63 =	vmov s31  }
0xd1: {  	vm15 =	vlt.s32 v63, v7  }
0xd2: {  	s17 =	sadd.s32 $0x40, s17;
	v8 =	vnsel vm15, $0xC0400000, v8  }
0xd3: {  	s20 =	sadd.s32 $0xFFFFFFFF, s20;
	s19 =	sadd.s32 $0x40, s19;
	[tilespmem:s18+$0x10] =	vst v8;
	s18 =	sadd.s32 $0x40, s18  }
.LBB2_11:
.Ltmp9:
0xd4: {  	(pc) =	sbr.rel .LBB2_12-.Ltmp9, $2  }
0xd5: {  	_ =	sdelay $0x2  }
0xd6: {  	s17 =	simm.s32 $0x0;
	v7 =	vimm.f32 $1.500000000e+00  }
.LBB2_16:
0xd7: {  	_ = 	snop  }
.LBB2_19:
0xd8: {  	v15 =	vadd.s32 @p1 v16, v15;
	v16 =	vsel @p1 vm0, $0x1, v2;
	vm0 =	vge.f32 @p1 v13, v8  }
0xd9: {  	v56 =	vld [tilespmem:s18+$0xFFFFFFD0];
	v15 =	vadd.s32 @p1 v16, v15;
	v16 =	vsel @p1 vm0, $0x1, v2;
	vm0 =	vge.f32 @p1 v11, v8  }
0xda: {  	v11 =	vld [tilespmem:s18+$0xFFFFFFE0];
	v15 =	vadd.s32 @p1 v16, v15;
	v16 =	vsel @p1 vm0, $0x1, v2;
	vm0 =	vge.f32 @p1 v12, v8  }
0xdb: {  	v57 =	vld [tilespmem:s18+$0xFFFFFFF0];
	v15 =	vadd.s32 @p1 v16, v15;
	v16 =	vsel @p1 vm0, $0x1, v2;
	vm0 =	vge.f32 @p1 v14, v8  }
0xdc: {  	v58 =	vld [tilespmem:s18+$0x0];
	v15 =	vadd.s32 @p1 v16, v15;
	v16 =	vsel @p1 vm0, $0x1, v2  }
0xdd: {  	vm8 =	vge.f32 v10, v8;
	v10 =	vld [tilespmem:s18+$0x10];
	v15 =	vadd.s32 @p1 v16, v15  }
0xde: {  	v60 =	vld [tilespmem:s18+$0x20];
	v59 =	vsel vm8, $0x1, v2;
	vm9 =	vge.f32 v56, v8;
	v9 =	vpsel p1, v15, v9  }
0xdf: {  	v61 =	vsel vm9, $0x1, v2;
	vm10 =	vge.f32 v11, v8;
	v11 =	vld [tilespmem:s18+$0x30];
	v9 =	vadd.s32 v59, v9  }
0xe0: {  	vm11 =	vge.f32 v57, v8;
	v62 =	vsel vm10, $0x1, v2;
	v9 =	vadd.s32 v61, v9  }
0xe1: {  	vm12 =	vge.f32 v58, v8;
	v12 =	vsel vm11, $0x1, v2;
	v9 =	vadd.s32 v62, v9  }
0xe2: {  	vm13 =	vge.f32 v10, v8;
	v63 =	vsel vm12, $0x1, v2;
	v9 =	vadd.s32 v12, v9  }
0xe3: {  	vm14 =	vge.f32 v60, v8;
	v10 =	vsel vm13, $0x1, v2;
	v9 =	vadd.s32 v63, v9  }
0xe4: {  	vm15 =	vge.f32 v11, v8;
	v9 =	vadd.s32 v10, v9;
	v10 =	vsel vm14, $0x1, v2  }
0xe5: {  	v9 =	vadd.s32 v10, v9;
	v10 =	vsel vm15, $0x1, v2  }
0xe6: {  	v9 =	vadd.s32 v10, v9  }
.LBB2_20:
0xe7: {  	(xrf0) =	vadd.scan.msk.s32 $0xffff, v9;
	_ =	sdelay $0x5  }
0xe8: {  	v9, _, _ =	vpop (xrf0)  }
0xe9: {  	v9 =	vperm.xlane v9, v4;
	_ =	sdelay $0x1  }
0xea: {  	v9 =	vxor.u32 $0x80000000, v9  }
0xeb: {  	(xrf0) =	vmax.scan.msk.u32 $0xffff, v9;
	_ =	sdelay $0x1  }
0xec: {  	s17 =	sadd.s32 $0x1, s17  }
0xed: {  	p1 =	seq.s32 s17, $0xA  }
.Ltmp10:
0xee: {  	_ = 	snop;
	(pc) =	sbr.rel @p1 .LBB2_21-.Ltmp10, $4  }
0xef: {  	_ = 	snop  }
0xf0: {  	v9, _, _ =	vpop (xrf0)  }
0xf1: {  	vm0 =	vgt.u32 v9, $0x80000063  }
0xf2: {  	v6 =	vsel vm0, v8, v6;
	v7 =	vsel vm0, v7, v8  }
.LBB2_12:
0xf3: {  	s20 =	simm.s32 $0x0  }
0xf4: {  	v9 =	vld [tilespmem:s20+$0x0]  }
0xf5: {  	v8 =	vadd.f32 v7, v6;
	v10 =	vld [tilespmem:s20+$0x10]  }
0xf6: {  	v16 =	vld [tilespmem:s20+$0x20]  }
0xf7: {  	v13 =	vld [tilespmem:s20+$0x30];
	v8 =	vmul.f32 $5.000000000e-01, v8  }
0xf8: {  	v11 =	vld [tilespmem:s20+$0x40]  }
0xf9: {  	vm0 =	vge.f32 v9, v8;
	v9 =	vld [tilespmem:s20+$0x50]  }
0xfa: {  	v12 =	vimm.s32 $0x0;
	v14 =	vsel vm0, $0x1, v2;
	vm0 =	vge.f32 v10, v8;
	v10 =	vld [tilespmem:s20+$0x60]  }
0xfb: {  	s18 =	simm.s32 $0x80;
	s19 =	simm.s32 $0x400;
	v14 =	vadd.s32 v14, v12;
	v15 =	vsel vm0, $0x1, v2;
	vm0 =	vge.f32 v16, v8;
	v12 =	vld [tilespmem:s20+$0x70]  }
.LBB2_13:
0xfc: {  	p1 =	seq.s32 s19, $0x3E00;
	v16 =	vld [tilespmem:s18+$0x0];
	v14 =	vadd.s32 v15, v14;
	v15 =	vsel vm0, $0x1, v2;
	vm0 =	vge.f32 v13, v8  }
0xfd: {  	v17 =	vld [tilespmem:s18+$0x10];
	v13 =	vadd.s32 v15, v14;
	v14 =	vsel vm0, $0x1, v2;
	vm0 =	vge.f32 v11, v8  }
0xfe: {  	v18 =	vld [tilespmem:s18+$0x20];
	v11 =	vadd.s32 v14, v13;
	v14 =	vsel vm0, $0x1, v2;
	vm0 =	vge.f32 v9, v8  }
.Ltmp11:
0xff: {  	v13 =	vld [tilespmem:s18+$0x30];
	v9 =	vadd.s32 v14, v11;
	v14 =	vsel vm0, $0x1, v2;
	vm0 =	vge.f32 v10, v8;
	(pc) =	sbr.rel @!p1 .LBB2_13-.Ltmp11, $4  }
0x100: {  	v11 =	vld [tilespmem:s18+$0x40];
	v10 =	vadd.s32 v14, v9;
	v14 =	vsel vm0, $0x1, v2;
	vm0 =	vge.f32 v12, v8  }
0x101: {  	vm1 =	vge.f32 v16, v8;
	v9 =	vld [tilespmem:s18+$0x50];
	v12 =	vadd.s32 v14, v10;
	v14 =	vsel vm0, $0x1, v2  }
0x102: {  	v15 =	vsel vm1, $0x1, v2;
	vm0 =	vge.f32 v17, v8;
	v10 =	vld [tilespmem:s18+$0x60];
	v12 =	vadd.s32 v14, v12  }
0x103: {  	v14 =	vadd.s32 v15, v12;
	v15 =	vsel vm0, $0x1, v2;
	vm0 =	vge.f32 v18, v8;
	v12 =	vld [tilespmem:s18+$0x70];
	s18 =	sshra.s32 s19, $0x2;
	s19 =	sadd.s32 $0x200, s19  }
0x104: {  	v16 =	vld [tilespmem:s18+$0x0];
	v14 =	vadd.s32 v15, v14;
	v52 =	vsel vm0, $0x1, v2;
	vm4 =	vge.f32 v13, v8  }
0x105: {  	v53 =	vld [tilespmem:s18+$0x10];
	v14 =	vadd.s32 v52, v14;
	v54 =	vsel vm4, $0x1, v2;
	vm5 =	vge.f32 v11, v8  }
0x106: {  	v11 =	vld [tilespmem:s18+$0x20];
	v14 =	vadd.s32 v54, v14;
	v55 =	vsel vm5, $0x1, v2;
	vm6 =	vge.f32 v9, v8  }
0x107: {  	v9 =	vld [tilespmem:s18+$0x30];
	v14 =	vadd.s32 v55, v14;
	v56 =	vsel vm6, $0x1, v2;
	vm7 =	vge.f32 v10, v8  }
0x108: {  	v10 =	vld [tilespmem:s18+$0x40];
	v14 =	vadd.s32 v56, v14;
	v57 =	vsel vm7, $0x1, v2;
	vm8 =	vge.f32 v12, v8  }
0x109: {  	v58 =	vld [tilespmem:s18+$0x50];
	vm1 =	vge.f32 v16, v8;
	v14 =	vadd.s32 v57, v14;
	v59 =	vsel vm8, $0x1, v2  }
0x10a: {  	v60 =	vld [tilespmem:s18+$0x60];
	vm9 =	vge.f32 v53, v8;
	v16 =	vsel vm1, $0x1, v2;
	v14 =	vadd.s32 v59, v14  }
0x10b: {  	v61 =	vsel vm9, $0x1, v2;
	vm10 =	vge.f32 v11, v8;
	v11 =	vld [tilespmem:s18+$0x70];
	v14 =	vadd.s32 v16, v14  }
0x10c: {  	v62 =	vsel vm10, $0x1, v2;
	vm11 =	vge.f32 v9, v8;
	v14 =	vadd.s32 v61, v14  }
0x10d: {  	v63 =	vsel vm11, $0x1, v2;
	vm12 =	vge.f32 v10, v8;
	v9 =	vadd.s32 v62, v14  }
.Ltmp12:
0x10e: {  	vm13 =	vge.f32 v58, v8;
	v10 =	vsel vm12, $0x1, v2;
	v9 =	vadd.s32 v63, v9;
	(pc) =	sbr.rel @!p0 .LBB2_20-.Ltmp12, $4  }
0x10f: {  	vm14 =	vge.f32 v60, v8;
	v9 =	vadd.s32 v10, v9;
	v10 =	vsel vm13, $0x1, v2  }
0x110: {  	vm15 =	vge.f32 v11, v8;
	v9 =	vadd.s32 v10, v9;
	v10 =	vsel vm14, $0x1, v2  }
0x111: {  	v9 =	vadd.s32 v10, v9;
	v10 =	vsel vm15, $0x1, v2  }
0x112: {  	s18 =	simm.s32 $0x18740;
	v9 =	vadd.s32 v10, v9  }
0x113: {  	p2 =	sne.s32 s16, $0x1  }
.Ltmp13:
0x114: {  	_ = 	snop;
	(pc) =	sbr.rel @!p2 .LBB2_16-.Ltmp13, $2  }
0x115: {  	_ =	sdelay $0x2  }
0x116: {  	v10 =	vld [tilespmem:s18+$0xFFFFFFC0];
	s19 =	sadd.s32 $0xFFFFFFFF, s16;
	p1 =	por $0x0, $0x0  }
0x117: {  	v14 =	vld [tilespmem:s18+$0xFFFFFFD0]  }
0x118: {  	v15 =	vld [tilespmem:s18+$0xFFFFFFE0]  }
0x119: {  	v17 =	vld [tilespmem:s18+$0xFFFFFFF0];
	p2 =	sne.s32 s19, $0x1  }
.Ltmp14:
0x11a: {  	v13 =	vld [tilespmem:s18+$0x0];
	(pc) =	sbr.rel @!p2 .LBB2_19-.Ltmp14, $4  }
0x11b: {  	v11 =	vld [tilespmem:s18+$0x10];
	vm0 =	vge.f32 v10, v8  }
0x11c: {  	v12 =	vld [tilespmem:s18+$0x20];
	v10 =	vsel vm0, $0x1, v2;
	vm0 =	vge.f32 v14, v8  }
0x11d: {  	v14 =	vld [tilespmem:s18+$0x30];
	s18 =	sadd.s32 $0x80, s18;
	v16 =	vadd.s32 v10, v9;
	v18 =	vsel vm0, $0x1, v2;
	vm0 =	vge.f32 v15, v8  }
0x11e: {  	s19 =	sadd.s32 $0xFFFFFFFF, s19;
	p1 =	por $0x1, $0x1;
	v10 =	vld [tilespmem:s18+$0xFFFFFFC0];
	v15 =	vadd.s32 v18, v16;
	v16 =	vsel vm0, $0x1, v2;
	vm0 =	vge.f32 v17, v8  }
.LBB2_18:
0x11f: {  	p2 =	sne.s32 s19, $0x1;
	v17 =	vld [tilespmem:s18+$0xFFFFFFD0];
	v15 =	vadd.s32 v16, v15;
	v16 =	vsel vm0, $0x1, v2;
	vm0 =	vge.f32 v13, v8  }
0x120: {  	v18 =	vld [tilespmem:s18+$0xFFFFFFE0];
	v13 =	vadd.s32 v16, v15;
	v15 =	vsel vm0, $0x1, v2;
	vm0 =	vge.f32 v11, v8  }
0x121: {  	v19 =	vld [tilespmem:s18+$0xFFFFFFF0];
	v11 =	vadd.s32 v15, v13;
	v15 =	vsel vm0, $0x1, v2;
	vm0 =	vge.f32 v12, v8  }
.Ltmp15:
0x122: {  	v13 =	vld [tilespmem:s18+$0x0];
	v12 =	vadd.s32 v15, v11;
	v15 =	vsel vm0, $0x1, v2;
	vm0 =	vge.f32 v14, v8;
	(pc) =	sbr.rel @p2 .LBB2_18-.Ltmp15, $4  }
0x123: {  	vm1 =	vge.f32 v10, v8;
	v11 =	vld [tilespmem:s18+$0x10];
	v10 =	vadd.s32 v15, v12;
	v14 =	vsel vm0, $0x1, v2  }
0x124: {  	v15 =	vsel vm1, $0x1, v2;
	vm0 =	vge.f32 v17, v8;
	v12 =	vld [tilespmem:s18+$0x20];
	v10 =	vadd.s32 v14, v10  }
0x125: {  	v15 =	vadd.s32 v15, v10;
	v16 =	vsel vm0, $0x1, v2;
	vm0 =	vge.f32 v18, v8;
	v14 =	vld [tilespmem:s18+$0x30];
	s18 =	sadd.s32 $0x80, s18  }
0x126: {  	s19 =	sadd.s32 $0xFFFFFFFF, s19;
	v10 =	vld [tilespmem:s18+$0xFFFFFFC0];
	v15 =	vadd.s32 v16, v15;
	v16 =	vsel vm0, $0x1, v2;
	vm0 =	vge.f32 v19, v8  }
.Ltmp16:
0x127: {  	_ = 	snop;
	(pc) =	sbr.rel .LBB2_19-.Ltmp16, $1  }
0x128: {  	_ =	sdelay $0x3  }
.LBB2_21:
0x129: {  	[tilespmem:$0x1B700] =	vst v5  }
0x12a: {  	[tilespmem:$0x1B710] =	vst v5  }
0x12b: {  	[tilespmem:$0x1B720] =	vst v5  }
0x12c: {  	[tilespmem:$0x1B730] =	vst v5  }
0x12d: {  	[tilespmem:$0x1B740] =	vst v5  }
0x12e: {  	[tilespmem:$0x1B750] =	vst v5  }
0x12f: {  	[tilespmem:$0x1B760] =	vst v5  }
0x130: {  	[tilespmem:$0x1B770] =	vst v5  }
0x131: {  	[tilespmem:$0x1B780] =	vst v5  }
0x132: {  	[tilespmem:$0x1B790] =	vst v5  }
0x133: {  	[tilespmem:$0x1B7A0] =	vst v5  }
0x134: {  	[tilespmem:$0x1B7B0] =	vst v5  }
0x135: {  	[tilespmem:$0x1B7C0] =	vst v5  }
0x136: {  	[tilespmem:$0x1B7D0] =	vst v5  }
0x137: {  	[tilespmem:$0x1B7E0] =	vst v5  }
0x138: {  	[tilespmem:$0x1B7F0] =	vst v5  }
0x139: {  	[tilespmem:$0x1B800] =	vst v5  }
0x13a: {  	[tilespmem:$0x1B810] =	vst v5  }
0x13b: {  	[tilespmem:$0x1B820] =	vst v5  }
0x13c: {  	[tilespmem:$0x1B830] =	vst v5  }
0x13d: {  	[tilespmem:$0x1B840] =	vst v5  }
0x13e: {  	[tilespmem:$0x1B850] =	vst v5  }
0x13f: {  	[tilespmem:$0x1B860] =	vst v5  }
0x140: {  	[tilespmem:$0x1B870] =	vst v5  }
0x141: {  	[tilespmem:$0x1B880] =	vst v5  }
0x142: {  	[tilespmem:$0x1B890] =	vst v5  }
0x143: {  	[tilespmem:$0x1B8A0] =	vst v5  }
0x144: {  	[tilespmem:$0x1B8B0] =	vst v5  }
0x145: {  	[tilespmem:$0x1B8C0] =	vst v5  }
0x146: {  	[tilespmem:$0x1B8D0] =	vst v5  }
0x147: {  	[tilespmem:$0x1B8E0] =	vst v5  }
0x148: {  	[tilespmem:$0x1B8F0] =	vst v5;
	v7 =	vimm.s32 $0x0;
	s16 =	simm.s32 $0x0;
	s17 =	simm.s32 $0x20  }
.LBB2_22:
0x149: {  	v8 =	vld [tilespmem:s17+$0xFFFFFFE0];
	_ =	sdelay $0x3  }
0x14a: {  	vm0 =	vlt.s32 v7, $0x1F0  }
0x14b: {  	v9 =	vnsel vm0, $0x1F0, v7;
	vm1 =	vge.f32 v8, v6  }
0x14c: {  	v9 =	vadd.s32 v0, v9;
	_ =	sdelay $0x4  }
0x14d: {  	[tilespmem:v9+s10+$0x0] =	vst.idx.msk vm1, v8;
	v8 =	vor.u32 s16, v0  }
0x14e: {  	[tilespmem:v9+s11+$0x0] =	vst.idx.msk vm1, v8  }
0x14f: {  	v8 =	vld [tilespmem:s17+$0xFFFFFFF0];
	_ =	sdelay $0x1  }
0x150: {  	v61 =	vsel vm1, $0x10, v2  }
0x151: {  	v7 =	vadd.s32 v7, v61  }
0x152: {  	vm10 =	vlt.s32 v7, $0x1F0  }
0x153: {  	v9 =	vnsel vm10, $0x1F0, v7;
	vm11 =	vge.f32 v8, v6  }
0x154: {  	v9 =	vadd.s32 v0, v9;
	_ =	sdelay $0x3  }
0x155: {  	s18 =	sadd.s32 $0x10, s16  }
0x156: {  	[tilespmem:v9+s10+$0x0] =	vst.idx.msk vm11, v8;
	v8 =	vor.u32 s18, v0  }
0x157: {  	[tilespmem:v9+s11+$0x0] =	vst.idx.msk vm11, v8  }
0x158: {  	v8 =	vld [tilespmem:s17+$0x0];
	_ =	sdelay $0x1  }
0x159: {  	v62 =	vsel vm11, $0x10, v2  }
0x15a: {  	v7 =	vadd.s32 v7, v62  }
0x15b: {  	vm12 =	vlt.s32 v7, $0x1F0  }
0x15c: {  	v9 =	vnsel vm12, $0x1F0, v7;
	vm13 =	vge.f32 v8, v6  }
0x15d: {  	v9 =	vadd.s32 v0, v9;
	_ =	sdelay $0x3  }
0x15e: {  	s30 =	sadd.s32 $0x20, s16  }
0x15f: {  	[tilespmem:v9+s10+$0x0] =	vst.idx.msk vm13, v8;
	v8 =	vor.u32 s30, v0  }
0x160: {  	[tilespmem:v9+s11+$0x0] =	vst.idx.msk vm13, v8  }
0x161: {  	v8 =	vld [tilespmem:s17+$0x10];
	_ =	sdelay $0x1  }
0x162: {  	v63 =	vsel vm13, $0x10, v2  }
0x163: {  	v7 =	vadd.s32 v7, v63  }
0x164: {  	vm14 =	vlt.s32 v7, $0x1F0  }
0x165: {  	v9 =	vnsel vm14, $0x1F0, v7;
	vm15 =	vge.f32 v8, v6  }
0x166: {  	v9 =	vadd.s32 v0, v9  }
0x167: {  	p1 =	seq.s32 s16, $0xFC0  }
.Ltmp17:
0x168: {  	_ = 	snop;
	(pc) =	sbr.rel @!p1 .LBB2_22-.Ltmp17, $4  }
0x169: {  	_ = 	snop  }
0x16a: {  	s31 =	sadd.s32 $0x30, s16  }
0x16b: {  	v10 =	vsel vm15, $0x10, v2;
	[tilespmem:v9+s10+$0x0] =	vst.idx.msk vm15, v8;
	v8 =	vor.u32 s31, v0  }
0x16c: {  	s16 =	sadd.s32 $0x40, s16;
	s17 =	sadd.s32 $0x40, s17;
	v7 =	vadd.s32 v7, v10;
	[tilespmem:v9+s11+$0x0] =	vst.idx.msk vm15, v8  }
.Ltmp18:
0x16d: {  	(pc) =	sbr.rel @!p0 .LBB2_26-.Ltmp18, $1  }
0x16e: {  	_ =	sdelay $0x3  }
0x16f: {  	s16 =	simm.s32 $0x19F20;
	s17 =	simm.s32 $0x18720  }
.LBB2_25:
0x170: {  	v8 =	vld [tilespmem:s17+$0xFFFFFFE0];
	_ =	sdelay $0x3  }
0x171: {  	vm0 =	vlt.s32 v7, $0x1F0  }
0x172: {  	v9 =	vnsel vm0, $0x1F0, v7;
	vm1 =	vge.f32 v8, v6  }
0x173: {  	v9 =	vadd.s32 v0, v9  }
0x174: {  	v10 =	vld [tilespmem:s16+$0xFFFFFFE0];
	_ =	sdelay $0x3  }
0x175: {  	[tilespmem:v9+s10+$0x0] =	vst.idx.msk vm1, v8  }
0x176: {  	[tilespmem:v9+s11+$0x0] =	vst.idx.msk vm1, v10  }
0x177: {  	v8 =	vld [tilespmem:s17+$0xFFFFFFF0];
	_ =	sdelay $0x1  }
0x178: {  	v61 =	vsel vm1, $0x10, v2  }
0x179: {  	v7 =	vadd.s32 v7, v61  }
0x17a: {  	vm10 =	vlt.s32 v7, $0x1F0  }
0x17b: {  	v9 =	vnsel vm10, $0x1F0, v7;
	vm11 =	vge.f32 v8, v6  }
0x17c: {  	v9 =	vadd.s32 v0, v9  }
0x17d: {  	v10 =	vld [tilespmem:s16+$0xFFFFFFF0];
	_ =	sdelay $0x3  }
0x17e: {  	[tilespmem:v9+s10+$0x0] =	vst.idx.msk vm11, v8  }
0x17f: {  	[tilespmem:v9+s11+$0x0] =	vst.idx.msk vm11, v10  }
0x180: {  	v8 =	vld [tilespmem:s17+$0x0];
	_ =	sdelay $0x1  }
0x181: {  	v62 =	vsel vm11, $0x10, v2  }
0x182: {  	v7 =	vadd.s32 v7, v62  }
0x183: {  	vm12 =	vlt.s32 v7, $0x1F0  }
0x184: {  	v9 =	vnsel vm12, $0x1F0, v7;
	vm13 =	vge.f32 v8, v6  }
0x185: {  	v9 =	vadd.s32 v0, v9  }
0x186: {  	v10 =	vld [tilespmem:s16+$0x0];
	_ =	sdelay $0x3  }
0x187: {  	[tilespmem:v9+s10+$0x0] =	vst.idx.msk vm13, v8  }
0x188: {  	[tilespmem:v9+s11+$0x0] =	vst.idx.msk vm13, v10  }
0x189: {  	v8 =	vld [tilespmem:s17+$0x10];
	_ =	sdelay $0x1  }
0x18a: {  	v63 =	vsel vm13, $0x10, v2  }
0x18b: {  	v7 =	vadd.s32 v7, v63  }
0x18c: {  	vm14 =	vlt.s32 v7, $0x1F0  }
0x18d: {  	v9 =	vnsel vm14, $0x1F0, v7;
	vm15 =	vge.f32 v8, v6  }
0x18e: {  	v9 =	vadd.s32 v0, v9  }
0x18f: {  	p0 =	sne.s32 s15, $0x1;
	v10 =	vld [tilespmem:s16+$0x10]  }
.Ltmp19:
0x190: {  	_ = 	snop;
	(pc) =	sbr.rel @p0 .LBB2_25-.Ltmp19, $3  }
0x191: {  	_ =	sdelay $0x1  }
0x192: {  	[tilespmem:v9+s10+$0x0] =	vst.idx.msk vm15, v8;
	v8 =	vsel vm15, $0x10, v2  }
0x193: {  	s15 =	sadd.s32 $0xFFFFFFFF, s15;
	s16 =	sadd.s32 $0x40, s16;
	s17 =	sadd.s32 $0x40, s17;
	[tilespmem:v9+s11+$0x0] =	vst.idx.msk vm15, v10;
	v7 =	vadd.s32 v7, v8  }
.Ltmp20:
0x194: {  	_ = 	snop;
	(pc) =	sbr.rel .LBB2_26-.Ltmp20, $1  }
0x195: {  	_ =	sdelay $0x3  }
.LBB2_28:
0x196: {  	_ =	sfence.sel $0x180000  }
0x197: {  	[bflag:$0x0] =	sbarrier.arrive $0xFFFF  }
0x198: {  	p0 =	sne.s32 s3, $0x0;
	_ =	strace $0x9000004A  }
0x199: {  	s0 =	sadd.s32 @!p0 $0x100000, s0;
	[bflag:$0x2] =	sbarrier.arrive $0xFFFF  }
0x19a: {  	[sflag:s0] =	ssyncadd.tile.s32 @!p0 $0x1;
	_ =	shalt  }
.Lfunc_end2:
_tile_overlayer_lowered:
.L_overlay_start_2:
0x19b: {  	(tag) =	ssettag $0x2  }
0x19c: {  	s0 =	rddreg [dreg:$0x0];
	s2 =	stileid.u32  }
0x19d: {  	s1 =	rddreg [dreg:$0x1];
	p0 =	sne.s32 s2, $0x0  }
0x19e: {  	s3 =	rddreg [dreg:$0x2];
	[bflag:$0x3] =	sbarrier.arrive $0xFFFF;
	s2 =	simm.s32 @!p0 $0x1C01  }
0x19f: {  	[timem:s3], [sflag:s2] =	dma.local @!p0 [hbm:s0], s1  }
0x1a0: {  	s0 =	simm.s32 @!p0 $0x1  }
0x1a1: {  	_ =	swait.ge @!p0 [sflag:s0], s1  }
0x1a2: {  	s1 =	ssub.s32 @!p0 $0x0, s1;
	[sflag:s0] =	ssyncset.done @!p0 $0x0  }
0x1a3: {  	[sflag:s0] =	ssyncadd.s32 @!p0 s1  }
0x1a4: {  	[bflag:$0x3] =	sbarrier.arrive $0xFFFF  }
0x1a5: {  	_ =	shalt  }

// kernel: sparse-core-data-format-call.cloned.1.call-start
scs
called_computation_lowered:
.L_overlay_start_0:
0x0: {  	s1 =	sld [smem:$0x3FD9]  }
0x1: {  	s2 =	sld [smem:$0x3FFE];
	_ =	sdelay $0x1  }
0x2: {  	s3 =	srdreg.scid  }
0x3: {  	s0 =	sand.u32 $0x1, s3  }
0x4: {  	s17 =	sshll.u32 s0, $0xA;
	s1 =	sadd.s32 s2, s1  }
0x5: {  	s1 =	sadd.s32 s1, s17  }
0x6: {  	[smem:$0x3FC6] =	sst s1  }
0x7: {  	_ = 	snop  }
0x8: {  	(tm) =	ssettm $0x1  }
0x9: {  	s18 =	sld [smem:$0x3FFB];
	_ =	sdelay $0x3  }
0xa: {  	_ =	strace s18  }
0xb: {  	s1 =	sld [smem:$0x3FFC];
	_ =	sdelay $0x3  }
0xc: {  	_ =	strace s1  }
0xd: {  	s1 =	sld [smem:$0x3FFD];
	_ =	sdelay $0x3  }
0xe: {  	_ =	strace s1  }
0xf: {  	_ =	strace $0x8FFFFFFF  }
0x10: {  	s19 =	sld [smem:$0x3FDB];
	_ =	sdelay $0x1  }
0x11: {  	s20 =	simm.s32 $_scs_section_size  }
0x12: {  	s4 =	simm.s32 $_size__tile_overlayer_lowered;
	s5 =	simm.s32 $_tile_overlayer_lowered  }
0x13: {  	s23 =	simm.s32 $0x1BFF;
	s22 =	sshll.u32 s5, $0x1;
	s1 =	sadd.s32 s20, s19  }
0x14: {  	s6 =	simm.s32 $0x0;
	s21 =	sshll.u32 s4, $0x1;
	s4 =	sadd.s32 s22, s1  }
0x15: {  	[timem:s6], [sflag:s23] =	dma.local [hbm:s4], s21  }
0x16: {  	_ =	swait.ge [sflag:s23], s21  }
0x17: {  	s2 =	ssub.s32 $0x0, s21;
	[sflag:s23] =	ssyncset.done $0x0  }
0x18: {  	[sflag:s23] =	ssyncadd.s32 s2;
	_ =	sdelay $0x1  }
0x19: {  	s24 =	simm.s32 $0x1B8B  }
0x1a: {  	_ =	swait.ge [sflag:s24], $0x1  }
0x1b: {  	[sflag:s24] =	ssyncset.done $0x0  }
0x1c: {  	s26 =	simm.s32 $0x1B8E;
	s25 =	sld [smem:$0x3FFE];
	[sflag:s24] =	ssyncadd.s32 $0xFFFFFFFF  }
0x1d: {  	s27 =	simm.s32 $execute0_lowered;
	[smem:$0x3FD2] =	sst s26  }
0x1e: {  	s4 =	sshll.u32 s27, $0x1;
	_ =	strace $0x80000046;
	[dreg:$0x1] =	wrdreg $0xFFFFFFFF  }
0x1f: {  	s28 =	simm.s32 $_size_execute0_lowered;
	s1 =	sadd.s32 s1, s4;
	[dreg:$0x0] =	wrdreg $0x0  }
0x20: {  	s4 =	sshll.u32 s28, $0x1;
	[dreg:$0x2] =	wrdreg s1  }
0x21: {  	[dreg:$0x3] =	wrdreg s4  }
0x22: {  	[dreg:$0x4] =	wrdreg $0xC0  }
0x23: {  	_ =	task [dreg:s6], $0x5FFFF  }
0x24: {  	[dreg:$0x1] =	wrdreg $0xFFFFFFFF  }
0x25: {  	[dreg:$0x0] =	wrdreg $0x60  }
0x26: {  	[dreg:$0x2] =	wrdreg s25  }
0x27: {  	[dreg:$0x3] =	wrdreg $0x9  }
0x28: {  	_ =	task.clear_ibuf [dreg:s6], $0x4FFFF;
	_ =	strace $0x90000046  }
0x29: {  	s29 =	simm.s32 $0x9;
	_ =	strace $0x80000048  }
0x2a: {  	_ =	swait.ge [sflag:s29], $0x1  }
0x2b: {  	[sflag:s29] =	ssyncadd.s32 $0xFFFFFFFF  }
0x2c: {  	_ =	strace $0x90000048  }
0x2d: {  	_ =	sfence  }
0x2e: {  	s30 =	sld [smem:$0x0];
	_ =	sdelay $0x2  }
0x2f: {  	s31 =	sshll.u32 s3, $0xD;
	s3 =	sshrl.u32 s3, $0x2  }
0x30: {  	s2 =	sand.u32 $0x4000, s31;
	s1 =	sadd.s32 s3, s30  }
0x31: {  	s0 =	sor.u32 s2, s0;
	s1 =	sshll.u32 s1, $0x11  }
0x32: {  	s0 =	sor.u32 s1, s0  }
0x33: {  	s0 =	sadd.s32 $0x8F2B, s0  }
0x34: {  	[sflag:s0] =	ssyncadd.remote.s32 $0x1  }
0x35: {  	_ =	sfence.sel $0xFFFF  }
0x36: {  	[dreg:$0x0] =	wrdreg $0xFFFFFFFF;
	(pc) =	sbr.abs _section_cstart, $3  }
0x37: {  	[dreg:$0x1] =	wrdreg $0xFFFFFFFF  }
0x38: {  	_ =	task.clear_ibuf [dreg:s6], $0x2FFFF;
	_ =	strace $0x9FFFFFFF  }
0x39: {  	(tm) =	ssettm $0x7FFFFFFF  }
tec
execute0_lowered:
.L_overlay_start_1:
0x0: {  	(tag) =	ssettag $0x1  }
0x1: {  	s1 =	rddreg [dreg:$0x0]  }
0x2: {  	s0 =	rddreg [dreg:$0x1]  }
0x3: {  	_ =	strace $0x80000047;
	s4 =	srdreg.scid;
	s6 =	simm.s32 $0x2  }
0x4: {  	s11 =	simm.s32 $0x0;
	p0 =	por $0x0, $0x0;
	s7 =	simm.s32 $0x18800  }
.Ltmp0:
0x5: {  	s12 =	simm.s32 $0x0;
	s9 =	simm.s32 $0x0;
	(pc) =	sbr.rel .LBB1_1-.Ltmp0, $4  }
0x6: {  	s2 =	sadd.s32 $0x30EA00, s1;
	s3 =	sadd.s32 $0x340EA00, s1;
	s5 =	sshll.u32 s4, $0x4  }
0x7: {  	s1 =	stileid.u32;
	s4 =	simm.s32 $0x1;
	s5 =	sand.u32 $0x10, s5  }
0x8: {  	s8 =	simm.s32 $0x0;
	[sflag:s4] =	ssyncpa.u1 $0x0;
	s5 =	sor.u32 s1, s5  }
0x9: {  	[sflag:s6] =	ssyncpa.u1 $0x0;
	s6 =	simm.s32 $0x800;
	s10 =	smov.u32 s5  }
.LBB1_7:
0xa: {  	s13 =	sadd.s32 $0x10, s9  }
0xb: {  	s11 =	sadd.s32 $0x20, s10;
	s15 =	smov.u32 s10;
	p2 =	sgt.s32 s13, $0x30F  }
0xc: {  	p1 =	slt.u32 s8, $0x2;
	s15 =	smov.u32 @p2 s11  }
0xd: {  	s8 =	sadd.s32 $0x1, s8;
	s13 =	simm.s32 @p2 $0x0;
	p2 =	sgt.s32 s15, $0x1FF  }
0xe: {  	s15 =	smov.u32 @p2 s5;
	p2 =	sne.s32 s8, $0x312  }
.Ltmp1:
0xf: {  	_ = 	snop;
	(pc) =	sbr.rel @!p2 .LBB1_8-.Ltmp1, $4  }
0x10: {  	s14 =	simm.s32 @!p1 $0x2  }
0x11: {  	s12 =	smov.u32 s10;
	_ =	swait.ge @!p1 [sflag:s14], $0x4000  }
0x12: {  	p0 =	por !p0, !p0;
	s11 =	smov.u32 s9;
	[sflag:s14] =	ssyncset.done @!p1 $0x0  }
0x13: {  	s9 =	smov.u32 s13;
	[sflag:s14] =	ssyncadd.s32 @!p1 $0xFFFFC000;
	s10 =	smov.u32 s15  }
.LBB1_1:
0x14: {  	p1 =	sgt.u32 s8, $0x30F  }
0x15: {  	s13 =	smul.u32 @!p1 $0x18800, s10  }
0x16: {  	s14 =	sxor.u32 @!p1 $0xFFFFFFFF, s8  }
0x17: {  	s15 =	sshll.u32 @!p1 s9, $0x7;
	s14 =	sshll.u32 @!p1 s14, $0xE;
	s13 =	sadd.s32 @!p1 s2, s13  }
0x18: {  	s14 =	sand.u32 @!p1 $0x4000, s14;
	s13 =	sadd.s32 @!p1 s15, s13;
	s15 =	simm.s32 @!p1 $0x0  }
0x19: {  	[tilespmem:s14], [sflag:$0x1] =	stream.linear.gather @!p1 [hbm4b:s13+s15], $0x4000, $0x38;
	[tilespmem:$0x10000] =	vst v63  }
0x1a: {  	p1 =	seq.s32 s8, $0x0  }
0x1b: {  	p2 =	seq.s32 @!p1 s8, $0x311  }
0x1c: {  	p1 =	por p1, p2  }
.Ltmp2:
0x1d: {  	_ = 	snop;
	(pc) =	sbr.rel @p1 .LBB1_7-.Ltmp2, $1  }
0x1e: {  	_ =	sdelay $0x3  }
0x1f: {  	s13 =	simm.s32 $0x1;
	_ =	swait.ge [sflag:s4], $0x4000;
	s16 =	sshll.u32 s8, $0xE  }
0x20: {  	s13 =	simm.s32 @!p0 $0x0;
	[sflag:s4] =	ssyncset.done $0x0;
	s31 =	sand.u32 $0x4000, s16  }
0x21: {  	s16 =	simm.s32 $0x0;
	s13 =	sshll.u32 s13, $0xE;
	[sflag:s4] =	ssyncadd.s32 $0xFFFFC000  }
0x22: {  	s14 =	sor.u32 $0x8040, s13;
	s15 =	sor.u32 $0x40, s13;
	s13 =	sor.u32 $0x8000, s31  }
.LBB1_3:
0x23: {  	v0 =	vmov s15;
	_ =	sdelay $0x3  }
0x24: {  	s18 =	simm.s32 $0x0  }
0x25: {  	v6 =	vld.idx.msk [tilespmem:v0+s18+$0x30 ss:$0x1], $0xffff  }
0x26: {  	v7 =	vld.idx.msk [tilespmem:v0+s18+$0xFFFFFFC0 ss:$0x1], $0xffff  }
0x27: {  	v5 =	vld.idx.msk [tilespmem:v0+s18+$0xFFFFFFD0 ss:$0x1], $0xffff  }
0x28: {  	v4 =	vld.idx.msk [tilespmem:v0+s18+$0xFFFFFFE0 ss:$0x1], $0xffff  }
0x29: {  	v3 =	vld.idx.msk [tilespmem:v0+s18+$0xFFFFFFF0 ss:$0x1], $0xffff  }
0x2a: {  	v1 =	vld.idx.msk [tilespmem:v0+s18+$0x0 ss:$0x1], $0xffff  }
0x2b: {  	v2 =	vld.idx.msk [tilespmem:v0+s18+$0x10 ss:$0x1], $0xffff;
	[tilespmem:s14+$0x30] =	vst v6  }
0x2c: {  	s17 =	simm.s32 $0x80;
	s19 =	simm.s32 $0x400;
	[tilespmem:s14+$0xFFFFFFC0] =	vst v7;
	v6 =	vld.idx.msk [tilespmem:v0+s18+$0x20 ss:$0x1], $0xffff;
	s18 =	smov.u32 s14  }
.LBB1_4:
0x2d: {  	p1 =	sne.s32 s19, $0xE00;
	v7 =	vld.idx.msk [tilespmem:v0+s17+$0x30 ss:$0x1], $0xffff;
	[tilespmem:s18+$0xFFFFFFD0] =	vst v5  }
0x2e: {  	v8 =	vld.idx.msk [tilespmem:v0+s17+$0xFFFFFFC0 ss:$0x1], $0xffff;
	[tilespmem:s18+$0xFFFFFFE0] =	vst v4  }
0x2f: {  	v5 =	vld.idx.msk [tilespmem:v0+s17+$0xFFFFFFD0 ss:$0x1], $0xffff;
	[tilespmem:s18+$0xFFFFFFF0] =	vst v3  }
.Ltmp3:
0x30: {  	v4 =	vld.idx.msk [tilespmem:v0+s17+$0xFFFFFFE0 ss:$0x1], $0xffff;
	[tilespmem:s18+$0x0] =	vst v1;
	(pc) =	sbr.rel @p1 .LBB1_4-.Ltmp3, $4  }
0x31: {  	v3 =	vld.idx.msk [tilespmem:v0+s17+$0xFFFFFFF0 ss:$0x1], $0xffff;
	[tilespmem:s18+$0x10] =	vst v2  }
0x32: {  	v1 =	vld.idx.msk [tilespmem:v0+s17+$0x0 ss:$0x1], $0xffff;
	[tilespmem:s18+$0x20] =	vst v6;
	s18 =	sadd.s32 $0x800, s18  }
0x33: {  	v2 =	vld.idx.msk [tilespmem:v0+s17+$0x10 ss:$0x1], $0xffff;
	[tilespmem:s18+$0x30] =	vst v7  }
0x34: {  	[tilespmem:s18+$0xFFFFFFC0] =	vst v8;
	v6 =	vld.idx.msk [tilespmem:v0+s17+$0x20 ss:$0x1], $0xffff;
	s17 =	sshra.s32 s19, $0x2;
	s19 =	sadd.s32 $0x200, s19  }
0x35: {  	_ =	sdelay $0x2  }
0x36: {  	[tilespmem:s18+$0xFFFFFFD0] =	vst v5  }
0x37: {  	v56 =	vld.idx.msk [tilespmem:v0+s17+$0x30 ss:$0x1], $0xffff;
	[tilespmem:s18+$0xFFFFFFE0] =	vst v4  }
0x38: {  	v57 =	vld.idx.msk [tilespmem:v0+s17+$0xFFFFFFC0 ss:$0x1], $0xffff;
	[tilespmem:s18+$0xFFFFFFF0] =	vst v3  }
0x39: {  	v58 =	vld.idx.msk [tilespmem:v0+s17+$0xFFFFFFD0 ss:$0x1], $0xffff;
	[tilespmem:s18+$0x0] =	vst v1  }
0x3a: {  	v59 =	vld.idx.msk [tilespmem:v0+s17+$0xFFFFFFE0 ss:$0x1], $0xffff;
	[tilespmem:s18+$0x10] =	vst v2  }
0x3b: {  	v60 =	vld.idx.msk [tilespmem:v0+s17+$0xFFFFFFF0 ss:$0x1], $0xffff;
	s31 =	sadd.s32 $0x800, s18;
	[tilespmem:s18+$0x20] =	vst v6  }
0x3c: {  	v61 =	vld.idx.msk [tilespmem:v0+s17+$0x0 ss:$0x1], $0xffff;
	[tilespmem:s31+$0x30] =	vst v56  }
0x3d: {  	v62 =	vld.idx.msk [tilespmem:v0+s17+$0x10 ss:$0x1], $0xffff;
	s16 =	sadd.s32 $0x1, s16;
	[tilespmem:s31+$0xFFFFFFC0] =	vst v57  }
0x3e: {  	v63 =	vld.idx.msk [tilespmem:v0+s17+$0x20 ss:$0x1], $0xffff;
	p1 =	sne.s32 s16, $0x10;
	[tilespmem:s31+$0xFFFFFFD0] =	vst v58  }
.Ltmp4:
0x3f: {  	[tilespmem:s31+$0xFFFFFFE0] =	vst v59;
	(pc) =	sbr.rel @p1 .LBB1_3-.Ltmp4, $4  }
0x40: {  	[tilespmem:s31+$0xFFFFFFF0] =	vst v60  }
0x41: {  	[tilespmem:s31+$0x0] =	vst v61  }
0x42: {  	[tilespmem:s31+$0x10] =	vst v62  }
0x43: {  	s14 =	sadd.s32 $0x80, s14;
	s15 =	sadd.s32 $0x400, s15;
	[tilespmem:s31+$0x20] =	vst v63  }
0x44: {  	s11 =	sand.u32 $0x1FFFFFF, s11  }
0x45: {  	s14 =	smulhi.u32 $0x14E5E0B, s11;
	_ =	sdelay $0x1  }
0x46: {  	s12 =	smul.u32 $0x18800, s12;
	s14 =	sshrl.u32 s14, $0x2  }
0x47: {  	s14 =	smul.u32 $0x310, s14  }
.Ltmp5:
0x48: {  	_ = 	snop;
	(pc) =	sbr.rel .LBB1_7-.Ltmp5, $4  }
0x49: {  	s11 =	ssub.s32 s11, s14  }
0x4a: {  	s12 =	sadd.s32 s3, s12;
	s11 =	sshll.u32 s11, $0x4  }
0x4b: {  	s11 =	sadd.s32 s11, s12  }
0x4c: {  	[hbm4b:s11+s6] =	stream.strided.scatter [tilespmem:s13], [sflag:$0x2], $0x4000, s7, s6, $0x38;
	[tilespmem:$0x10000] =	vst v63  }
.LBB1_8:
0x4d: {  	_ =	sfence.sel $0x180000  }
0x4e: {  	s2 =	simm.s32 $0x1;
	[bflag:$0x0] =	sbarrier.arrive $0xFFFF  }
0x4f: {  	s31 =	simm.s32 $0x2;
	[sflag:s2] =	ssyncpa.u1 $0x1  }
0x50: {  	[sflag:s31] =	ssyncpa.u1 $0x1  }
0x51: {  	p0 =	sne.s32 s1, $0x0;
	_ =	strace $0x90000047  }
0x52: {  	s0 =	sadd.s32 @!p0 $0x100000, s0;
	[bflag:$0x2] =	sbarrier.arrive $0xFFFF  }
0x53: {  	[sflag:s0] =	ssyncadd.tile.s32 @!p0 $0x1;
	_ =	shalt  }
.Lfunc_end1:
_tile_overlayer_lowered:
.L_overlay_start_2:
0x54: {  	(tag) =	ssettag $0x2  }
0x55: {  	s0 =	rddreg [dreg:$0x0];
	s2 =	stileid.u32  }
0x56: {  	s1 =	rddreg [dreg:$0x1];
	p0 =	sne.s32 s2, $0x0  }
0x57: {  	s3 =	rddreg [dreg:$0x2];
	[bflag:$0x3] =	sbarrier.arrive $0xFFFF;
	s2 =	simm.s32 @!p0 $0x1C01  }
0x58: {  	[timem:s3], [sflag:s2] =	dma.local @!p0 [hbm:s0], s1  }
0x59: {  	s0 =	simm.s32 @!p0 $0x1  }
0x5a: {  	_ =	swait.ge @!p0 [sflag:s0], s1  }
0x5b: {  	s1 =	ssub.s32 @!p0 $0x0, s1;
	[sflag:s0] =	ssyncset.done @!p0 $0x0  }
0x5c: {  	[sflag:s0] =	ssyncadd.s32 @!p0 s1  }
0x5d: {  	[bflag:$0x3] =	sbarrier.arrive $0xFFFF  }
0x5e: {  	_ =	shalt  }

</sc_bundles>
